<compile_context>
chip_gen: v7x
topology: tpu7x:2x2x1
jax: 0.10.2.dev20260603
libtpu: 0.0.44.dev20260713+nightly
codegen_flags: <defaults>
</compile_context>

<pallas_src>
import functools

import jax
import jax.numpy as jnp
from jax import lax
from jax.experimental import pallas as pl
from jax.experimental.pallas import tpu as pltpu
from jax.experimental.pallas import tpu_sc as plsc

R = 16384
C = 1024
NC, NS = 2, 16
NW = NC * NS
L = 16
CH = C // L
G = 32
NACC = 8

SC_ROWS = 4096
TC_BR = 2048

_GATHER_DNUMS = lax.GatherDimensionNumbers(
    offset_dims=(), collapsed_slice_dims=(0,), start_index_map=(0,))


def _shuffle(x, idx):
    return lax.gather(
        x, idx[:, None], _GATHER_DNUMS, slice_sizes=(1,),
        mode=lax.GatherScatterMode.PROMISE_IN_BOUNDS)


def _sc_argmax_kernel(rpw, ng, sim_hbm, out_hbm, buf0, buf1, out_v,
                      sem0, sem1):
    cid = lax.axis_index("c")
    sid = lax.axis_index("s")
    wid = sid * NC + cid
    base_row = wid * rpw
    lane = lax.iota(jnp.int32, L)
    big = jnp.full((L,), 2**30, jnp.int32)

    def start(g, buf, sem):
        pltpu.async_copy(sim_hbm.at[pl.ds(base_row + g * G, G)], buf, sem)

    def wait(g, buf, sem):
        pltpu.make_async_copy(
            sim_hbm.at[pl.ds(base_row + g * G, G)], buf, sem).wait()

    def process(g, buf):
        def tile_body(t, _):
            def row_body(rr, res_vec):
                r = t * L + rr
                bv = [buf[r, pl.ds(a * L, L)] for a in range(NACC)]
                bc = [jnp.full((L,), a, jnp.int32) for a in range(NACC)]
                for i in range(NACC, CH):
                    a = i % NACC
                    v = buf[r, pl.ds(i * L, L)]
                    gt = v > bv[a]
                    bv[a] = jnp.where(gt, v, bv[a])
                    bc[a] = jnp.where(gt, jnp.full((L,), i, jnp.int32),
                                      bc[a])

                def merge(p, q):
                    vp, cp = p
                    vq, cq = q
                    take = (vq > vp) | ((vq == vp) & (cq < cp))
                    return (jnp.where(take, vq, vp),
                            jnp.where(take, cq, cp))

                pairs = list(zip(bv, bc))
                while len(pairs) > 1:
                    pairs = [merge(pairs[i], pairs[i + 1])
                             for i in range(0, len(pairs), 2)]
                mv, mc = pairs[0]
                m = mv
                for k in (1, 2, 4, 8):
                    m = jnp.maximum(m, _shuffle(m, (lane + k) & (L - 1)))
                gidx = mc * L + lane
                cand = jnp.where(mv == m, gidx, big)
                for k in (1, 2, 4, 8):
                    cand = jnp.minimum(
                        cand, _shuffle(cand, (lane + k) & (L - 1)))
                return jnp.where(lane == rr, cand, res_vec)

            res_vec = lax.fori_loop(
                0, L, row_body, jnp.zeros((L,), jnp.int32))
            out_v[pl.ds(g * G + t * L, L)] = res_vec
            return 0

        lax.fori_loop(0, G // L, tile_body, 0)

    start(0, buf0, sem0)

    def pair_body(h, _):
        g0 = 2 * h
        wait(g0, buf0, sem0)
        start(g0 + 1, buf1, sem1)
        process(g0, buf0)
        wait(g0 + 1, buf1, sem1)

        @pl.when(g0 + 2 < ng)
        def _():
            start(g0 + 2, buf0, sem0)

        process(g0 + 1, buf1)
        return 0

    lax.fori_loop(0, ng // 2, pair_body, 0)
    pltpu.sync_copy(out_v, out_hbm.at[pl.ds(base_row, rpw)])


def _sc_argmax(sim, sc_rows):
    rpw = sc_rows // NW
    ng = rpw // G
    mesh = plsc.VectorSubcoreMesh(core_axis_name="c", subcore_axis_name="s")
    return pl.kernel(
        functools.partial(_sc_argmax_kernel, rpw, ng),
        out_type=jax.ShapeDtypeStruct((sc_rows,), jnp.int32),
        mesh=mesh,
        scratch_types=[
            pltpu.VMEM((G, C), jnp.float32),
            pltpu.VMEM((G, C), jnp.float32),
            pltpu.VMEM((rpw,), jnp.int32),
            pltpu.SemaphoreType.DMA,
            pltpu.SemaphoreType.DMA,
        ],
    )(sim)


def _tc_argmax_body(x_ref, o_ref):
    x = x_ref[...]
    nk = C // 128
    cols = [x[:, k * 128:(k + 1) * 128] for k in range(nk)]
    m128 = cols[0]
    for k in range(1, nk):
        m128 = jnp.maximum(m128, cols[k])
    cidx = jnp.full(m128.shape, nk, jnp.int32)
    for k in range(nk - 1, -1, -1):
        cidx = jnp.where(cols[k] == m128, k, cidx)
    m = jnp.max(m128, axis=-1, keepdims=True)
    lane = lax.broadcasted_iota(jnp.int32, m128.shape, 1)
    g = (cidx << 7) | lane
    cand = jnp.where(m128 == m, g, 2**30)
    o_ref[0, 0, :] = jnp.min(cand, axis=-1)


def _tc_argmax(sim, row0, nrows):
    nb = nrows // TC_BR
    out = pl.pallas_call(
        _tc_argmax_body,
        grid=(nb,),
        in_specs=[pl.BlockSpec((TC_BR, C),
                               lambda i: (row0 // TC_BR + i, 0))],
        out_specs=pl.BlockSpec((1, 1, TC_BR), lambda i: (i, 0, 0)),
        out_shape=jax.ShapeDtypeStruct((nb, 1, TC_BR), jnp.int32),
        compiler_params=pltpu.CompilerParams(
            dimension_semantics=("parallel",)),
    )(sim)
    return out.reshape(nrows)


@jax.jit
def _argmax_rows(sim):
    parts = []
    if SC_ROWS > 0:
        parts.append(_sc_argmax(sim, SC_ROWS))
    if SC_ROWS < R:
        parts.append(_tc_argmax(sim, SC_ROWS, R - SC_ROWS))
    if len(parts) == 1:
        return parts[0]
    return jnp.concatenate(parts)


def kernel(distance, kmeans_centers, similarities):
    sim = similarities.reshape(R, C)
    return _argmax_rows(sim).reshape(similarities.shape[:-1])

# --- scband reference (transcript-rebuilt; emitter-appended) ---
"""Pipeline reference for scband-local-feature-alignment-40578851012646 (READ-ONLY COPY).

The authoritative reference and input builder live on the scoring server;
editing this copy changes nothing except your own understanding.
"""

import jax, jax.numpy as jnp
import numpy as np


def setup_inputs(seed: int = 0) -> dict:
    key = jax.random.key(seed)
    k1, k2, k3 = jax.random.split(key, 3)
    distance = jax.random.normal(k1, (16, 32, 32, 1024), dtype=jnp.float32)
    kmeans_centers = jax.random.normal(k2, (1024, 256), dtype=jnp.float32)
    similarities = jax.random.normal(k3, (16, 32, 32, 1024), dtype=jnp.float32)
    return {"distance": distance, "kmeans_centers": kmeans_centers, "similarities": similarities}


def reference(distance, kmeans_centers, similarities):
    # Faithful translation of LocalFeatureAlignment.call:
    # hard_assign = argmax(similarities, axis=-1); returns [hard_assign]
    hard_assign = jnp.argmax(similarities, axis=-1)
    return hard_assign

if __name__ == "__main__":
    import jax
    _d = setup_inputs()
    print(jax.jit(kernel)(*tuple(_d.values())))

</pallas_src>

<mosaic_0001>
#map = affine_map<(d0, d1) -> (0, 0)>
#map1 = affine_map<(d0, d1) -> (0)>
module attributes {stable_mosaic.version = 14 : i64} {
  func.func @_sc_argmax_kernel(%arg0: i32, %arg1: i32, %arg2: memref<16384x1024xf32, #tpu.memory_space<hbm>>, %arg3: memref<4096xi32, #tpu.memory_space<hbm>>, %arg4: memref<32x1024xf32, #tpu.memory_space<vmem>>, %arg5: memref<32x1024xf32, #tpu.memory_space<vmem>>, %arg6: memref<128xi32, #tpu.memory_space<vmem>>, %arg7: memref<!tpu.dma_semaphore, #tpu.memory_space<semaphore_mem>>, %arg8: memref<!tpu.dma_semaphore, #tpu.memory_space<semaphore_mem>>) attributes {dimension_semantics = [#tpu.dimension_semantics<core_parallel>, #tpu.dimension_semantics<subcore_parallel>], iteration_bounds = array<i64: 2, 16>, scalar_prefetch = 0 : i64, scratch_operands = 5 : i64, tpu.core_type = #tpu.core_type<sc_vector_subcore>, window_params = [{transform_indices = #map}, {transform_indices = #map1}]} {
    %mul3A = arith.constant 2 : i32
    %mul3A_0 = arith.muli %arg1, %mul3A : i32
    %add3A = arith.addi %mul3A_0, %arg0 : i32
    %mul3A_1 = arith.constant 128 : i32
    %mul3A_2 = arith.muli %add3A, %mul3A_1 : i32
    %iota3A = tpu.iota {dimensions = array<i32: 0>} : vector<16xi32>
    %broadcast_in_dim3A = arith.constant 1073741824 : i32
    %broadcast_in_dim3A_3 = vector.broadcast %broadcast_in_dim3A : i32 to vector<16xi32>
    %add3A_4 = arith.constant 0 : i32
    %add3A_5 = arith.addi %mul3A_2, %add3A_4 : i32
    %dma_start3A = arith.constant 0 : i32
    %dma_start3A_6 = tpu.memref_slice %arg2[%add3A_5, %dma_start3A] : memref<16384x1024xf32, #tpu.memory_space<hbm>> -> memref<32x1024xf32, #tpu.memory_space<hbm>>
    %dma_start3A_7 = arith.constant 0 : i32
    %dma_start3A_8 = tpu.memref_slice %arg2[%add3A_5, %dma_start3A_7] : memref<16384x1024xf32, #tpu.memory_space<hbm>> -> memref<32x1024xf32, #tpu.memory_space<hbm>>
    tpu.enqueue_dma source(%dma_start3A_8 : memref<32x1024xf32, #tpu.memory_space<hbm>>) target(%arg4 : memref<32x1024xf32, #tpu.memory_space<vmem>>) target_semaphore(%arg7 : memref<!tpu.dma_semaphore, #tpu.memory_space<semaphore_mem>>)
    %scan3A = arith.constant 0 : i32
    %scan3A_9 = arith.constant 0 : i32
    %scan3A_10 = arith.constant 2 : i32
    %scan3A_11 = arith.addi %scan3A_9, %scan3A_10 : i32
    %scan3A_12 = arith.constant 1 : i32
    %scan3A_13 = scf.for %scan3A_15 = %scan3A_9 to %scan3A_11 step %scan3A_12 iter_args(%scan3A_16 = %scan3A) -> (i32)  : i32 {
      %mul3A_17 = arith.constant 2 : i32
      %mul3A_18 = arith.muli %mul3A_17, %scan3A_15 : i32
      %mul3A_19 = arith.constant 32 : i32
      %mul3A_20 = arith.muli %mul3A_18, %mul3A_19 : i32
      %add3A_21 = arith.addi %mul3A_2, %mul3A_20 : i32
      %dma_wait3A = arith.constant 0 : i32
      %dma_wait3A_22 = tpu.memref_slice %arg2[%add3A_21, %dma_wait3A] : memref<16384x1024xf32, #tpu.memory_space<hbm>> -> memref<32x1024xf32, #tpu.memory_space<hbm>>
      %dma_wait3A_23 = arith.constant 0 : i32
      %dma_wait3A_24 = tpu.memref_slice %arg2[%add3A_21, %dma_wait3A_23] : memref<16384x1024xf32, #tpu.memory_space<hbm>> -> memref<32x1024xf32, #tpu.memory_space<hbm>>
      tpu.wait_dma2 semaphore(%arg7 : memref<!tpu.dma_semaphore, #tpu.memory_space<semaphore_mem>>) src(%dma_wait3A_24 : memref<32x1024xf32, #tpu.memory_space<hbm>>) dst(%arg4 : memref<32x1024xf32, #tpu.memory_space<vmem>>)
      %add3A_25 = arith.constant 1 : i32
      %add3A_26 = arith.addi %mul3A_18, %add3A_25 : i32
      %mul3A_27 = arith.constant 32 : i32
      %mul3A_28 = arith.muli %add3A_26, %mul3A_27 : i32
      %add3A_29 = arith.addi %mul3A_2, %mul3A_28 : i32
      %dma_start3A_30 = arith.constant 0 : i32
      %dma_start3A_31 = tpu.memref_slice %arg2[%add3A_29, %dma_start3A_30] : memref<16384x1024xf32, #tpu.memory_space<hbm>> -> memref<32x1024xf32, #tpu.memory_space<hbm>>
      %dma_start3A_32 = arith.constant 0 : i32
      %dma_start3A_33 = tpu.memref_slice %arg2[%add3A_29, %dma_start3A_32] : memref<16384x1024xf32, #tpu.memory_space<hbm>> -> memref<32x1024xf32, #tpu.memory_space<hbm>>
      tpu.enqueue_dma source(%dma_start3A_33 : memref<32x1024xf32, #tpu.memory_space<hbm>>) target(%arg5 : memref<32x1024xf32, #tpu.memory_space<vmem>>) target_semaphore(%arg8 : memref<!tpu.dma_semaphore, #tpu.memory_space<semaphore_mem>>)
      %scan3A_34 = arith.constant 0 : i32
      %scan3A_35 = arith.constant 0 : i32
      %scan3A_36 = arith.constant 2 : i32
      %scan3A_37 = arith.addi %scan3A_35, %scan3A_36 : i32
      %scan3A_38 = arith.constant 1 : i32
      %scan3A_39 = scf.for %scan3A_64 = %scan3A_35 to %scan3A_37 step %scan3A_38 iter_args(%scan3A_65 = %scan3A_34) -> (i32)  : i32 {
        %broadcast_in_dim3A_66 = arith.constant 0 : i32
        %broadcast_in_dim3A_67 = vector.broadcast %broadcast_in_dim3A_66 : i32 to vector<16xi32>
        %scan3A_68 = arith.constant 0 : i32
        %scan3A_69 = arith.constant 16 : i32
        %scan3A_70 = arith.addi %scan3A_68, %scan3A_69 : i32
        %scan3A_71 = arith.constant 1 : i32
        %scan3A_72 = scf.for %scan3A_83 = %scan3A_68 to %scan3A_70 step %scan3A_71 iter_args(%scan3A_84 = %broadcast_in_dim3A_67) -> (vector<16xi32>)  : i32 {
          %mul3A_85 = arith.constant 16 : i32
          %mul3A_86 = arith.muli %scan3A_64, %mul3A_85 : i32
          %add3A_87 = arith.addi %mul3A_86, %scan3A_83 : i32
          %get3A = arith.index_cast %add3A_87 : i32 to index
          %get3A_88 = arith.constant 0 : index
          %get3A_89 = tpu.vector_load %arg4[%get3A, %get3A_88] {strides = array<i32>} : memref<32x1024xf32, #tpu.memory_space<vmem>>, vector<1x16xf32>,
          %get3A_90 = vector.shape_cast %get3A_89 : vector<1x16xf32> to vector<16xf32>
          %get3A_91 = arith.index_cast %add3A_87 : i32 to index
          %get3A_92 = arith.constant 16 : index
          %get3A_93 = tpu.vector_load %arg4[%get3A_91, %get3A_92] {strides = array<i32>} : memref<32x1024xf32, #tpu.memory_space<vmem>>, vector<1x16xf32>,
          %get3A_94 = vector.shape_cast %get3A_93 : vector<1x16xf32> to vector<16xf32>
          %get3A_95 = arith.index_cast %add3A_87 : i32 to index
          %get3A_96 = arith.constant 32 : index
          %get3A_97 = tpu.vector_load %arg4[%get3A_95, %get3A_96] {strides = array<i32>} : memref<32x1024xf32, #tpu.memory_space<vmem>>, vector<1x16xf32>,
          %get3A_98 = vector.shape_cast %get3A_97 : vector<1x16xf32> to vector<16xf32>
          %get3A_99 = arith.index_cast %add3A_87 : i32 to index
          %get3A_100 = arith.constant 48 : index
          %get3A_101 = tpu.vector_load %arg4[%get3A_99, %get3A_100] {strides = array<i32>} : memref<32x1024xf32, #tpu.memory_space<vmem>>, vector<1x16xf32>,
          %get3A_102 = vector.shape_cast %get3A_101 : vector<1x16xf32> to vector<16xf32>
          %get3A_103 = arith.index_cast %add3A_87 : i32 to index
          %get3A_104 = arith.constant 64 : index
          %get3A_105 = tpu.vector_load %arg4[%get3A_103, %get3A_104] {strides = array<i32>} : memref<32x1024xf32, #tpu.memory_space<vmem>>, vector<1x16xf32>,
          %get3A_106 = vector.shape_cast %get3A_105 : vector<1x16xf32> to vector<16xf32>
          %get3A_107 = arith.index_cast %add3A_87 : i32 to index
          %get3A_108 = arith.constant 80 : index
          %get3A_109 = tpu.vector_load %arg4[%get3A_107, %get3A_108] {strides = array<i32>} : memref<32x1024xf32, #tpu.memory_space<vmem>>, vector<1x16xf32>,
          %get3A_110 = vector.shape_cast %get3A_109 : vector<1x16xf32> to vector<16xf32>
          %get3A_111 = arith.index_cast %add3A_87 : i32 to index
          %get3A_112 = arith.constant 96 : index
          %get3A_113 = tpu.vector_load %arg4[%get3A_111, %get3A_112] {strides = array<i32>} : memref<32x1024xf32, #tpu.memory_space<vmem>>, vector<1x16xf32>,
          %get3A_114 = vector.shape_cast %get3A_113 : vector<1x16xf32> to vector<16xf32>
          %get3A_115 = arith.index_cast %add3A_87 : i32 to index
          %get3A_116 = arith.constant 112 : index
          %get3A_117 = tpu.vector_load %arg4[%get3A_115, %get3A_116] {strides = array<i32>} : memref<32x1024xf32, #tpu.memory_space<vmem>>, vector<1x16xf32>,
          %get3A_118 = vector.shape_cast %get3A_117 : vector<1x16xf32> to vector<16xf32>
          %broadcast_in_dim3A_119 = arith.constant 0 : i32
          %broadcast_in_dim3A_120 = vector.broadcast %broadcast_in_dim3A_119 : i32 to vector<16xi32>
          %broadcast_in_dim3A_121 = arith.constant 1 : i32
          %broadcast_in_dim3A_122 = vector.broadcast %broadcast_in_dim3A_121 : i32 to vector<16xi32>
          %broadcast_in_dim3A_123 = arith.constant 2 : i32
          %broadcast_in_dim3A_124 = vector.broadcast %broadcast_in_dim3A_123 : i32 to vector<16xi32>
          %broadcast_in_dim3A_125 = arith.constant 3 : i32
          %broadcast_in_dim3A_126 = vector.broadcast %broadcast_in_dim3A_125 : i32 to vector<16xi32>
          %broadcast_in_dim3A_127 = arith.constant 4 : i32
          %broadcast_in_dim3A_128 = vector.broadcast %broadcast_in_dim3A_127 : i32 to vector<16xi32>
          %broadcast_in_dim3A_129 = arith.constant 5 : i32
          %broadcast_in_dim3A_130 = vector.broadcast %broadcast_in_dim3A_129 : i32 to vector<16xi32>
          %broadcast_in_dim3A_131 = arith.constant 6 : i32
          %broadcast_in_dim3A_132 = vector.broadcast %broadcast_in_dim3A_131 : i32 to vector<16xi32>
          %broadcast_in_dim3A_133 = arith.constant 7 : i32
          %broadcast_in_dim3A_134 = vector.broadcast %broadcast_in_dim3A_133 : i32 to vector<16xi32>
          %get3A_135 = arith.index_cast %add3A_87 : i32 to index
          %get3A_136 = arith.constant 128 : index
          %get3A_137 = tpu.vector_load %arg4[%get3A_135, %get3A_136] {strides = array<i32>} : memref<32x1024xf32, #tpu.memory_space<vmem>>, vector<1x16xf32>,
          %get3A_138 = vector.shape_cast %get3A_137 : vector<1x16xf32> to vector<16xf32>
          %gt3A = arith.cmpf ogt, %get3A_138, %get3A_90 : vector<16xf32>
          %select_n3A = arith.select %gt3A, %get3A_138, %get3A_90 : vector<16xi1>, vector<16xf32>
          %broadcast_in_dim3A_139 = arith.constant 8 : i32
          %broadcast_in_dim3A_140 = vector.broadcast %broadcast_in_dim3A_139 : i32 to vector<16xi32>
          %select_n3A_141 = arith.select %gt3A, %broadcast_in_dim3A_140, %broadcast_in_dim3A_120 : vector<16xi1>, vector<16xi32>
          %get3A_142 = arith.index_cast %add3A_87 : i32 to index
          %get3A_143 = arith.constant 144 : index
          %get3A_144 = tpu.vector_load %arg4[%get3A_142, %get3A_143] {strides = array<i32>} : memref<32x1024xf32, #tpu.memory_space<vmem>>, vector<1x16xf32>,
          %get3A_145 = vector.shape_cast %get3A_144 : vector<1x16xf32> to vector<16xf32>
          %gt3A_146 = arith.cmpf ogt, %get3A_145, %get3A_94 : vector<16xf32>
          %select_n3A_147 = arith.select %gt3A_146, %get3A_145, %get3A_94 : vector<16xi1>, vector<16xf32>
          %broadcast_in_dim3A_148 = arith.constant 9 : i32
          %broadcast_in_dim3A_149 = vector.broadcast %broadcast_in_dim3A_148 : i32 to vector<16xi32>
          %select_n3A_150 = arith.select %gt3A_146, %broadcast_in_dim3A_149, %broadcast_in_dim3A_122 : vector<16xi1>, vector<16xi32>
          %get3A_151 = arith.index_cast %add3A_87 : i32 to index
          %get3A_152 = arith.constant 160 : index
          %get3A_153 = tpu.vector_load %arg4[%get3A_151, %get3A_152] {strides = array<i32>} : memref<32x1024xf32, #tpu.memory_space<vmem>>, vector<1x16xf32>,
          %get3A_154 = vector.shape_cast %get3A_153 : vector<1x16xf32> to vector<16xf32>
          %gt3A_155 = arith.cmpf ogt, %get3A_154, %get3A_98 : vector<16xf32>
          %select_n3A_156 = arith.select %gt3A_155, %get3A_154, %get3A_98 : vector<16xi1>, vector<16xf32>
          %broadcast_in_dim3A_157 = arith.constant 10 : i32
          %broadcast_in_dim3A_158 = vector.broadcast %broadcast_in_dim3A_157 : i32 to vector<16xi32>
          %select_n3A_159 = arith.select %gt3A_155, %broadcast_in_dim3A_158, %broadcast_in_dim3A_124 : vector<16xi1>, vector<16xi32>
          %get3A_160 = arith.index_cast %add3A_87 : i32 to index
          %get3A_161 = arith.constant 176 : index
          %get3A_162 = tpu.vector_load %arg4[%get3A_160, %get3A_161] {strides = array<i32>} : memref<32x1024xf32, #tpu.memory_space<vmem>>, vector<1x16xf32>,
          %get3A_163 = vector.shape_cast %get3A_162 : vector<1x16xf32> to vector<16xf32>
          %gt3A_164 = arith.cmpf ogt, %get3A_163, %get3A_102 : vector<16xf32>
          %select_n3A_165 = arith.select %gt3A_164, %get3A_163, %get3A_102 : vector<16xi1>, vector<16xf32>
          %broadcast_in_dim3A_166 = arith.constant 11 : i32
          %broadcast_in_dim3A_167 = vector.broadcast %broadcast_in_dim3A_166 : i32 to vector<16xi32>
          %select_n3A_168 = arith.select %gt3A_164, %broadcast_in_dim3A_167, %broadcast_in_dim3A_126 : vector<16xi1>, vector<16xi32>
          %get3A_169 = arith.index_cast %add3A_87 : i32 to index
          %get3A_170 = arith.constant 192 : index
          %get3A_171 = tpu.vector_load %arg4[%get3A_169, %get3A_170] {strides = array<i32>} : memref<32x1024xf32, #tpu.memory_space<vmem>>, vector<1x16xf32>,
          %get3A_172 = vector.shape_cast %get3A_171 : vector<1x16xf32> to vector<16xf32>
          %gt3A_173 = arith.cmpf ogt, %get3A_172, %get3A_106 : vector<16xf32>
          %select_n3A_174 = arith.select %gt3A_173, %get3A_172, %get3A_106 : vector<16xi1>, vector<16xf32>
          %broadcast_in_dim3A_175 = arith.constant 12 : i32
          %broadcast_in_dim3A_176 = vector.broadcast %broadcast_in_dim3A_175 : i32 to vector<16xi32>
          %select_n3A_177 = arith.select %gt3A_173, %broadcast_in_dim3A_176, %broadcast_in_dim3A_128 : vector<16xi1>, vector<16xi32>
          %get3A_178 = arith.index_cast %add3A_87 : i32 to index
          %get3A_179 = arith.constant 208 : index
          %get3A_180 = tpu.vector_load %arg4[%get3A_178, %get3A_179] {strides = array<i32>} : memref<32x1024xf32, #tpu.memory_space<vmem>>, vector<1x16xf32>,
          %get3A_181 = vector.shape_cast %get3A_180 : vector<1x16xf32> to vector<16xf32>
          %gt3A_182 = arith.cmpf ogt, %get3A_181, %get3A_110 : vector<16xf32>
          %select_n3A_183 = arith.select %gt3A_182, %get3A_181, %get3A_110 : vector<16xi1>, vector<16xf32>
          %broadcast_in_dim3A_184 = arith.constant 13 : i32
          %broadcast_in_dim3A_185 = vector.broadcast %broadcast_in_dim3A_184 : i32 to vector<16xi32>
          %select_n3A_186 = arith.select %gt3A_182, %broadcast_in_dim3A_185, %broadcast_in_dim3A_130 : vector<16xi1>, vector<16xi32>
          %get3A_187 = arith.index_cast %add3A_87 : i32 to index
          %get3A_188 = arith.constant 224 : index
          %get3A_189 = tpu.vector_load %arg4[%get3A_187, %get3A_188] {strides = array<i32>} : memref<32x1024xf32, #tpu.memory_space<vmem>>, vector<1x16xf32>,
          %get3A_190 = vector.shape_cast %get3A_189 : vector<1x16xf32> to vector<16xf32>
          %gt3A_191 = arith.cmpf ogt, %get3A_190, %get3A_114 : vector<16xf32>
          %select_n3A_192 = arith.select %gt3A_191, %get3A_190, %get3A_114 : vector<16xi1>, vector<16xf32>
          %broadcast_in_dim3A_193 = arith.constant 14 : i32
          %broadcast_in_dim3A_194 = vector.broadcast %broadcast_in_dim3A_193 : i32 to vector<16xi32>
          %select_n3A_195 = arith.select %gt3A_191, %broadcast_in_dim3A_194, %broadcast_in_dim3A_132 : vector<16xi1>, vector<16xi32>
          %get3A_196 = arith.index_cast %add3A_87 : i32 to index
          %get3A_197 = arith.constant 240 : index
          %get3A_198 = tpu.vector_load %arg4[%get3A_196, %get3A_197] {strides = array<i32>} : memref<32x1024xf32, #tpu.memory_space<vmem>>, vector<1x16xf32>,
          %get3A_199 = vector.shape_cast %get3A_198 : vector<1x16xf32> to vector<16xf32>
          %gt3A_200 = arith.cmpf ogt, %get3A_199, %get3A_118 : vector<16xf32>
          %select_n3A_201 = arith.select %gt3A_200, %get3A_199, %get3A_118 : vector<16xi1>, vector<16xf32>
          %broadcast_in_dim3A_202 = arith.constant 15 : i32
          %broadcast_in_dim3A_203 = vector.broadcast %broadcast_in_dim3A_202 : i32 to vector<16xi32>
          %select_n3A_204 = arith.select %gt3A_200, %broadcast_in_dim3A_203, %broadcast_in_dim3A_134 : vector<16xi1>, vector<16xi32>
          %get3A_205 = arith.index_cast %add3A_87 : i32 to index
          %get3A_206 = arith.constant 256 : index
          %get3A_207 = tpu.vector_load %arg4[%get3A_205, %get3A_206] {strides = array<i32>} : memref<32x1024xf32, #tpu.memory_space<vmem>>, vector<1x16xf32>,
          %get3A_208 = vector.shape_cast %get3A_207 : vector<1x16xf32> to vector<16xf32>
          %gt3A_209 = arith.cmpf ogt, %get3A_208, %select_n3A : vector<16xf32>
          %select_n3A_210 = arith.select %gt3A_209, %get3A_208, %select_n3A : vector<16xi1>, vector<16xf32>
          %broadcast_in_dim3A_211 = arith.constant 16 : i32
          %broadcast_in_dim3A_212 = vector.broadcast %broadcast_in_dim3A_211 : i32 to vector<16xi32>
          %select_n3A_213 = arith.select %gt3A_209, %broadcast_in_dim3A_212, %select_n3A_141 : vector<16xi1>, vector<16xi32>
          %get3A_214 = arith.index_cast %add3A_87 : i32 to index
          %get3A_215 = arith.constant 272 : index
          %get3A_216 = tpu.vector_load %arg4[%get3A_214, %get3A_215] {strides = array<i32>} : memref<32x1024xf32, #tpu.memory_space<vmem>>, vector<1x16xf32>,
          %get3A_217 = vector.shape_cast %get3A_216 : vector<1x16xf32> to vector<16xf32>
          %gt3A_218 = arith.cmpf ogt, %get3A_217, %select_n3A_147 : vector<16xf32>
          %select_n3A_219 = arith.select %gt3A_218, %get3A_217, %select_n3A_147 : vector<16xi1>, vector<16xf32>
          %broadcast_in_dim3A_220 = arith.constant 17 : i32
          %broadcast_in_dim3A_221 = vector.broadcast %broadcast_in_dim3A_220 : i32 to vector<16xi32>
          %select_n3A_222 = arith.select %gt3A_218, %broadcast_in_dim3A_221, %select_n3A_150 : vector<16xi1>, vector<16xi32>
          %get3A_223 = arith.index_cast %add3A_87 : i32 to index
          %get3A_224 = arith.constant 288 : index
          %get3A_225 = tpu.vector_load %arg4[%get3A_223, %get3A_224] {strides = array<i32>} : memref<32x1024xf32, #tpu.memory_space<vmem>>, vector<1x16xf32>,
          %get3A_226 = vector.shape_cast %get3A_225 : vector<1x16xf32> to vector<16xf32>
          %gt3A_227 = arith.cmpf ogt, %get3A_226, %select_n3A_156 : vector<16xf32>
          %select_n3A_228 = arith.select %gt3A_227, %get3A_226, %select_n3A_156 : vector<16xi1>, vector<16xf32>
          %broadcast_in_dim3A_229 = arith.constant 18 : i32
          %broadcast_in_dim3A_230 = vector.broadcast %broadcast_in_dim3A_229 : i32 to vector<16xi32>
          %select_n3A_231 = arith.select %gt3A_227, %broadcast_in_dim3A_230, %select_n3A_159 : vector<16xi1>, vector<16xi32>
          %get3A_232 = arith.index_cast %add3A_87 : i32 to index
          %get3A_233 = arith.constant 304 : index
          %get3A_234 = tpu.vector_load %arg4[%get3A_232, %get3A_233] {strides = array<i32>} : memref<32x1024xf32, #tpu.memory_space<vmem>>, vector<1x16xf32>,
          %get3A_235 = vector.shape_cast %get3A_234 : vector<1x16xf32> to vector<16xf32>
          %gt3A_236 = arith.cmpf ogt, %get3A_235, %select_n3A_165 : vector<16xf32>
          %select_n3A_237 = arith.select %gt3A_236, %get3A_235, %select_n3A_165 : vector<16xi1>, vector<16xf32>
          %broadcast_in_dim3A_238 = arith.constant 19 : i32
          %broadcast_in_dim3A_239 = vector.broadcast %broadcast_in_dim3A_238 : i32 to vector<16xi32>
          %select_n3A_240 = arith.select %gt3A_236, %broadcast_in_dim3A_239, %select_n3A_168 : vector<16xi1>, vector<16xi32>
          %get3A_241 = arith.index_cast %add3A_87 : i32 to index
          %get3A_242 = arith.constant 320 : index
          %get3A_243 = tpu.vector_load %arg4[%get3A_241, %get3A_242] {strides = array<i32>} : memref<32x1024xf32, #tpu.memory_space<vmem>>, vector<1x16xf32>,
          %get3A_244 = vector.shape_cast %get3A_243 : vector<1x16xf32> to vector<16xf32>
          %gt3A_245 = arith.cmpf ogt, %get3A_244, %select_n3A_174 : vector<16xf32>
          %select_n3A_246 = arith.select %gt3A_245, %get3A_244, %select_n3A_174 : vector<16xi1>, vector<16xf32>
          %broadcast_in_dim3A_247 = arith.constant 20 : i32
          %broadcast_in_dim3A_248 = vector.broadcast %broadcast_in_dim3A_247 : i32 to vector<16xi32>
          %select_n3A_249 = arith.select %gt3A_245, %broadcast_in_dim3A_248, %select_n3A_177 : vector<16xi1>, vector<16xi32>
          %get3A_250 = arith.index_cast %add3A_87 : i32 to index
          %get3A_251 = arith.constant 336 : index
          %get3A_252 = tpu.vector_load %arg4[%get3A_250, %get3A_251] {strides = array<i32>} : memref<32x1024xf32, #tpu.memory_space<vmem>>, vector<1x16xf32>,
          %get3A_253 = vector.shape_cast %get3A_252 : vector<1x16xf32> to vector<16xf32>
          %gt3A_254 = arith.cmpf ogt, %get3A_253, %select_n3A_183 : vector<16xf32>
          %select_n3A_255 = arith.select %gt3A_254, %get3A_253, %select_n3A_183 : vector<16xi1>, vector<16xf32>
          %broadcast_in_dim3A_256 = arith.constant 21 : i32
          %broadcast_in_dim3A_257 = vector.broadcast %broadcast_in_dim3A_256 : i32 to vector<16xi32>
          %select_n3A_258 = arith.select %gt3A_254, %broadcast_in_dim3A_257, %select_n3A_186 : vector<16xi1>, vector<16xi32>
          %get3A_259 = arith.index_cast %add3A_87 : i32 to index
          %get3A_260 = arith.constant 352 : index
          %get3A_261 = tpu.vector_load %arg4[%get3A_259, %get3A_260] {strides = array<i32>} : memref<32x1024xf32, #tpu.memory_space<vmem>>, vector<1x16xf32>,
          %get3A_262 = vector.shape_cast %get3A_261 : vector<1x16xf32> to vector<16xf32>
          %gt3A_263 = arith.cmpf ogt, %get3A_262, %select_n3A_192 : vector<16xf32>
          %select_n3A_264 = arith.select %gt3A_263, %get3A_262, %select_n3A_192 : vector<16xi1>, vector<16xf32>
          %broadcast_in_dim3A_265 = arith.constant 22 : i32
          %broadcast_in_dim3A_266 = vector.broadcast %broadcast_in_dim3A_265 : i32 to vector<16xi32>
          %select_n3A_267 = arith.select %gt3A_263, %broadcast_in_dim3A_266, %select_n3A_195 : vector<16xi1>, vector<16xi32>
          %get3A_268 = arith.index_cast %add3A_87 : i32 to index
          %get3A_269 = arith.constant 368 : index
          %get3A_270 = tpu.vector_load %arg4[%get3A_268, %get3A_269] {strides = array<i32>} : memref<32x1024xf32, #tpu.memory_space<vmem>>, vector<1x16xf32>,
          %get3A_271 = vector.shape_cast %get3A_270 : vector<1x16xf32> to vector<16xf32>
          %gt3A_272 = arith.cmpf ogt, %get3A_271, %select_n3A_201 : vector<16xf32>
          %select_n3A_273 = arith.select %gt3A_272, %get3A_271, %select_n3A_201 : vector<16xi1>, vector<16xf32>
          %broadcast_in_dim3A_274 = arith.constant 23 : i32
          %broadcast_in_dim3A_275 = vector.broadcast %broadcast_in_dim3A_274 : i32 to vector<16xi32>
          %select_n3A_276 = arith.select %gt3A_272, %broadcast_in_dim3A_275, %select_n3A_204 : vector<16xi1>, vector<16xi32>
          %get3A_277 = arith.index_cast %add3A_87 : i32 to index
          %get3A_278 = arith.constant 384 : index
          %get3A_279 = tpu.vector_load %arg4[%get3A_277, %get3A_278] {strides = array<i32>} : memref<32x1024xf32, #tpu.memory_space<vmem>>, vector<1x16xf32>,
          %get3A_280 = vector.shape_cast %get3A_279 : vector<1x16xf32> to vector<16xf32>
          %gt3A_281 = arith.cmpf ogt, %get3A_280, %select_n3A_210 : vector<16xf32>
          %select_n3A_282 = arith.select %gt3A_281, %get3A_280, %select_n3A_210 : vector<16xi1>, vector<16xf32>
          %broadcast_in_dim3A_283 = arith.constant 24 : i32
          %broadcast_in_dim3A_284 = vector.broadcast %broadcast_in_dim3A_283 : i32 to vector<16xi32>
          %select_n3A_285 = arith.select %gt3A_281, %broadcast_in_dim3A_284, %select_n3A_213 : vector<16xi1>, vector<16xi32>
          %get3A_286 = arith.index_cast %add3A_87 : i32 to index
          %get3A_287 = arith.constant 400 : index
          %get3A_288 = tpu.vector_load %arg4[%get3A_286, %get3A_287] {strides = array<i32>} : memref<32x1024xf32, #tpu.memory_space<vmem>>, vector<1x16xf32>,
          %get3A_289 = vector.shape_cast %get3A_288 : vector<1x16xf32> to vector<16xf32>
          %gt3A_290 = arith.cmpf ogt, %get3A_289, %select_n3A_219 : vector<16xf32>
          %select_n3A_291 = arith.select %gt3A_290, %get3A_289, %select_n3A_219 : vector<16xi1>, vector<16xf32>
          %broadcast_in_dim3A_292 = arith.constant 25 : i32
          %broadcast_in_dim3A_293 = vector.broadcast %broadcast_in_dim3A_292 : i32 to vector<16xi32>
          %select_n3A_294 = arith.select %gt3A_290, %broadcast_in_dim3A_293, %select_n3A_222 : vector<16xi1>, vector<16xi32>
          %get3A_295 = arith.index_cast %add3A_87 : i32 to index
          %get3A_296 = arith.constant 416 : index
          %get3A_297 = tpu.vector_load %arg4[%get3A_295, %get3A_296] {strides = array<i32>} : memref<32x1024xf32, #tpu.memory_space<vmem>>, vector<1x16xf32>,
          %get3A_298 = vector.shape_cast %get3A_297 : vector<1x16xf32> to vector<16xf32>
          %gt3A_299 = arith.cmpf ogt, %get3A_298, %select_n3A_228 : vector<16xf32>
          %select_n3A_300 = arith.select %gt3A_299, %get3A_298, %select_n3A_228 : vector<16xi1>, vector<16xf32>
          %broadcast_in_dim3A_301 = arith.constant 26 : i32
          %broadcast_in_dim3A_302 = vector.broadcast %broadcast_in_dim3A_301 : i32 to vector<16xi32>
          %select_n3A_303 = arith.select %gt3A_299, %broadcast_in_dim3A_302, %select_n3A_231 : vector<16xi1>, vector<16xi32>
          %get3A_304 = arith.index_cast %add3A_87 : i32 to index
          %get3A_305 = arith.constant 432 : index
          %get3A_306 = tpu.vector_load %arg4[%get3A_304, %get3A_305] {strides = array<i32>} : memref<32x1024xf32, #tpu.memory_space<vmem>>, vector<1x16xf32>,
          %get3A_307 = vector.shape_cast %get3A_306 : vector<1x16xf32> to vector<16xf32>
          %gt3A_308 = arith.cmpf ogt, %get3A_307, %select_n3A_237 : vector<16xf32>
          %select_n3A_309 = arith.select %gt3A_308, %get3A_307, %select_n3A_237 : vector<16xi1>, vector<16xf32>
          %broadcast_in_dim3A_310 = arith.constant 27 : i32
          %broadcast_in_dim3A_311 = vector.broadcast %broadcast_in_dim3A_310 : i32 to vector<16xi32>
          %select_n3A_312 = arith.select %gt3A_308, %broadcast_in_dim3A_311, %select_n3A_240 : vector<16xi1>, vector<16xi32>
          %get3A_313 = arith.index_cast %add3A_87 : i32 to index
          %get3A_314 = arith.constant 448 : index
          %get3A_315 = tpu.vector_load %arg4[%get3A_313, %get3A_314] {strides = array<i32>} : memref<32x1024xf32, #tpu.memory_space<vmem>>, vector<1x16xf32>,
          %get3A_316 = vector.shape_cast %get3A_315 : vector<1x16xf32> to vector<16xf32>
          %gt3A_317 = arith.cmpf ogt, %get3A_316, %select_n3A_246 : vector<16xf32>
          %select_n3A_318 = arith.select %gt3A_317, %get3A_316, %select_n3A_246 : vector<16xi1>, vector<16xf32>
          %broadcast_in_dim3A_319 = arith.constant 28 : i32
          %broadcast_in_dim3A_320 = vector.broadcast %broadcast_in_dim3A_319 : i32 to vector<16xi32>
          %select_n3A_321 = arith.select %gt3A_317, %broadcast_in_dim3A_320, %select_n3A_249 : vector<16xi1>, vector<16xi32>
          %get3A_322 = arith.index_cast %add3A_87 : i32 to index
          %get3A_323 = arith.constant 464 : index
          %get3A_324 = tpu.vector_load %arg4[%get3A_322, %get3A_323] {strides = array<i32>} : memref<32x1024xf32, #tpu.memory_space<vmem>>, vector<1x16xf32>,
          %get3A_325 = vector.shape_cast %get3A_324 : vector<1x16xf32> to vector<16xf32>
          %gt3A_326 = arith.cmpf ogt, %get3A_325, %select_n3A_255 : vector<16xf32>
          %select_n3A_327 = arith.select %gt3A_326, %get3A_325, %select_n3A_255 : vector<16xi1>, vector<16xf32>
          %broadcast_in_dim3A_328 = arith.constant 29 : i32
          %broadcast_in_dim3A_329 = vector.broadcast %broadcast_in_dim3A_328 : i32 to vector<16xi32>
          %select_n3A_330 = arith.select %gt3A_326, %broadcast_in_dim3A_329, %select_n3A_258 : vector<16xi1>, vector<16xi32>
          %get3A_331 = arith.index_cast %add3A_87 : i32 to index
          %get3A_332 = arith.constant 480 : index
          %get3A_333 = tpu.vector_load %arg4[%get3A_331, %get3A_332] {strides = array<i32>} : memref<32x1024xf32, #tpu.memory_space<vmem>>, vector<1x16xf32>,
          %get3A_334 = vector.shape_cast %get3A_333 : vector<1x16xf32> to vector<16xf32>
          %gt3A_335 = arith.cmpf ogt, %get3A_334, %select_n3A_264 : vector<16xf32>
          %select_n3A_336 = arith.select %gt3A_335, %get3A_334, %select_n3A_264 : vector<16xi1>, vector<16xf32>
          %broadcast_in_dim3A_337 = arith.constant 30 : i32
          %broadcast_in_dim3A_338 = vector.broadcast %broadcast_in_dim3A_337 : i32 to vector<16xi32>
          %select_n3A_339 = arith.select %gt3A_335, %broadcast_in_dim3A_338, %select_n3A_267 : vector<16xi1>, vector<16xi32>
          %get3A_340 = arith.index_cast %add3A_87 : i32 to index
          %get3A_341 = arith.constant 496 : index
          %get3A_342 = tpu.vector_load %arg4[%get3A_340, %get3A_341] {strides = array<i32>} : memref<32x1024xf32, #tpu.memory_space<vmem>>, vector<1x16xf32>,
          %get3A_343 = vector.shape_cast %get3A_342 : vector<1x16xf32> to vector<16xf32>
          %gt3A_344 = arith.cmpf ogt, %get3A_343, %select_n3A_273 : vector<16xf32>
          %select_n3A_345 = arith.select %gt3A_344, %get3A_343, %select_n3A_273 : vector<16xi1>, vector<16xf32>
          %broadcast_in_dim3A_346 = arith.constant 31 : i32
          %broadcast_in_dim3A_347 = vector.broadcast %broadcast_in_dim3A_346 : i32 to vector<16xi32>
          %select_n3A_348 = arith.select %gt3A_344, %broadcast_in_dim3A_347, %select_n3A_276 : vector<16xi1>, vector<16xi32>
          %get3A_349 = arith.index_cast %add3A_87 : i32 to index
          %get3A_350 = arith.constant 512 : index
          %get3A_351 = tpu.vector_load %arg4[%get3A_349, %get3A_350] {strides = array<i32>} : memref<32x1024xf32, #tpu.memory_space<vmem>>, vector<1x16xf32>,
          %get3A_352 = vector.shape_cast %get3A_351 : vector<1x16xf32> to vector<16xf32>
          %gt3A_353 = arith.cmpf ogt, %get3A_352, %select_n3A_282 : vector<16xf32>
          %select_n3A_354 = arith.select %gt3A_353, %get3A_352, %select_n3A_282 : vector<16xi1>, vector<16xf32>
          %broadcast_in_dim3A_355 = arith.constant 32 : i32
          %broadcast_in_dim3A_356 = vector.broadcast %broadcast_in_dim3A_355 : i32 to vector<16xi32>
          %select_n3A_357 = arith.select %gt3A_353, %broadcast_in_dim3A_356, %select_n3A_285 : vector<16xi1>, vector<16xi32>
          %get3A_358 = arith.index_cast %add3A_87 : i32 to index
          %get3A_359 = arith.constant 528 : index
          %get3A_360 = tpu.vector_load %arg4[%get3A_358, %get3A_359] {strides = array<i32>} : memref<32x1024xf32, #tpu.memory_space<vmem>>, vector<1x16xf32>,
          %get3A_361 = vector.shape_cast %get3A_360 : vector<1x16xf32> to vector<16xf32>
          %gt3A_362 = arith.cmpf ogt, %get3A_361, %select_n3A_291 : vector<16xf32>
          %select_n3A_363 = arith.select %gt3A_362, %get3A_361, %select_n3A_291 : vector<16xi1>, vector<16xf32>
          %broadcast_in_dim3A_364 = arith.constant 33 : i32
          %broadcast_in_dim3A_365 = vector.broadcast %broadcast_in_dim3A_364 : i32 to vector<16xi32>
          %select_n3A_366 = arith.select %gt3A_362, %broadcast_in_dim3A_365, %select_n3A_294 : vector<16xi1>, vector<16xi32>
          %get3A_367 = arith.index_cast %add3A_87 : i32 to index
          %get3A_368 = arith.constant 544 : index
          %get3A_369 = tpu.vector_load %arg4[%get3A_367, %get3A_368] {strides = array<i32>} : memref<32x1024xf32, #tpu.memory_space<vmem>>, vector<1x16xf32>,
          %get3A_370 = vector.shape_cast %get3A_369 : vector<1x16xf32> to vector<16xf32>
          %gt3A_371 = arith.cmpf ogt, %get3A_370, %select_n3A_300 : vector<16xf32>
          %select_n3A_372 = arith.select %gt3A_371, %get3A_370, %select_n3A_300 : vector<16xi1>, vector<16xf32>
          %broadcast_in_dim3A_373 = arith.constant 34 : i32
          %broadcast_in_dim3A_374 = vector.broadcast %broadcast_in_dim3A_373 : i32 to vector<16xi32>
          %select_n3A_375 = arith.select %gt3A_371, %broadcast_in_dim3A_374, %select_n3A_303 : vector<16xi1>, vector<16xi32>
          %get3A_376 = arith.index_cast %add3A_87 : i32 to index
          %get3A_377 = arith.constant 560 : index
          %get3A_378 = tpu.vector_load %arg4[%get3A_376, %get3A_377] {strides = array<i32>} : memref<32x1024xf32, #tpu.memory_space<vmem>>, vector<1x16xf32>,
          %get3A_379 = vector.shape_cast %get3A_378 : vector<1x16xf32> to vector<16xf32>
          %gt3A_380 = arith.cmpf ogt, %get3A_379, %select_n3A_309 : vector<16xf32>
          %select_n3A_381 = arith.select %gt3A_380, %get3A_379, %select_n3A_309 : vector<16xi1>, vector<16xf32>
          %broadcast_in_dim3A_382 = arith.constant 35 : i32
          %broadcast_in_dim3A_383 = vector.broadcast %broadcast_in_dim3A_382 : i32 to vector<16xi32>
          %select_n3A_384 = arith.select %gt3A_380, %broadcast_in_dim3A_383, %select_n3A_312 : vector<16xi1>, vector<16xi32>
          %get3A_385 = arith.index_cast %add3A_87 : i32 to index
          %get3A_386 = arith.constant 576 : index
          %get3A_387 = tpu.vector_load %arg4[%get3A_385, %get3A_386] {strides = array<i32>} : memref<32x1024xf32, #tpu.memory_space<vmem>>, vector<1x16xf32>,
          %get3A_388 = vector.shape_cast %get3A_387 : vector<1x16xf32> to vector<16xf32>
          %gt3A_389 = arith.cmpf ogt, %get3A_388, %select_n3A_318 : vector<16xf32>
          %select_n3A_390 = arith.select %gt3A_389, %get3A_388, %select_n3A_318 : vector<16xi1>, vector<16xf32>
          %broadcast_in_dim3A_391 = arith.constant 36 : i32
          %broadcast_in_dim3A_392 = vector.broadcast %broadcast_in_dim3A_391 : i32 to vector<16xi32>
          %select_n3A_393 = arith.select %gt3A_389, %broadcast_in_dim3A_392, %select_n3A_321 : vector<16xi1>, vector<16xi32>
          %get3A_394 = arith.index_cast %add3A_87 : i32 to index
          %get3A_395 = arith.constant 592 : index
          %get3A_396 = tpu.vector_load %arg4[%get3A_394, %get3A_395] {strides = array<i32>} : memref<32x1024xf32, #tpu.memory_space<vmem>>, vector<1x16xf32>,
          %get3A_397 = vector.shape_cast %get3A_396 : vector<1x16xf32> to vector<16xf32>
          %gt3A_398 = arith.cmpf ogt, %get3A_397, %select_n3A_327 : vector<16xf32>
          %select_n3A_399 = arith.select %gt3A_398, %get3A_397, %select_n3A_327 : vector<16xi1>, vector<16xf32>
          %broadcast_in_dim3A_400 = arith.constant 37 : i32
          %broadcast_in_dim3A_401 = vector.broadcast %broadcast_in_dim3A_400 : i32 to vector<16xi32>
          %select_n3A_402 = arith.select %gt3A_398, %broadcast_in_dim3A_401, %select_n3A_330 : vector<16xi1>, vector<16xi32>
          %get3A_403 = arith.index_cast %add3A_87 : i32 to index
          %get3A_404 = arith.constant 608 : index
          %get3A_405 = tpu.vector_load %arg4[%get3A_403, %get3A_404] {strides = array<i32>} : memref<32x1024xf32, #tpu.memory_space<vmem>>, vector<1x16xf32>,
          %get3A_406 = vector.shape_cast %get3A_405 : vector<1x16xf32> to vector<16xf32>
          %gt3A_407 = arith.cmpf ogt, %get3A_406, %select_n3A_336 : vector<16xf32>
          %select_n3A_408 = arith.select %gt3A_407, %get3A_406, %select_n3A_336 : vector<16xi1>, vector<16xf32>
          %broadcast_in_dim3A_409 = arith.constant 38 : i32
          %broadcast_in_dim3A_410 = vector.broadcast %broadcast_in_dim3A_409 : i32 to vector<16xi32>
          %select_n3A_411 = arith.select %gt3A_407, %broadcast_in_dim3A_410, %select_n3A_339 : vector<16xi1>, vector<16xi32>
          %get3A_412 = arith.index_cast %add3A_87 : i32 to index
          %get3A_413 = arith.constant 624 : index
          %get3A_414 = tpu.vector_load %arg4[%get3A_412, %get3A_413] {strides = array<i32>} : memref<32x1024xf32, #tpu.memory_space<vmem>>, vector<1x16xf32>,
          %get3A_415 = vector.shape_cast %get3A_414 : vector<1x16xf32> to vector<16xf32>
          %gt3A_416 = arith.cmpf ogt, %get3A_415, %select_n3A_345 : vector<16xf32>
          %select_n3A_417 = arith.select %gt3A_416, %get3A_415, %select_n3A_345 : vector<16xi1>, vector<16xf32>
          %broadcast_in_dim3A_418 = arith.constant 39 : i32
          %broadcast_in_dim3A_419 = vector.broadcast %broadcast_in_dim3A_418 : i32 to vector<16xi32>
          %select_n3A_420 = arith.select %gt3A_416, %broadcast_in_dim3A_419, %select_n3A_348 : vector<16xi1>, vector<16xi32>
          %get3A_421 = arith.index_cast %add3A_87 : i32 to index
          %get3A_422 = arith.constant 640 : index
          %get3A_423 = tpu.vector_load %arg4[%get3A_421, %get3A_422] {strides = array<i32>} : memref<32x1024xf32, #tpu.memory_space<vmem>>, vector<1x16xf32>,
          %get3A_424 = vector.shape_cast %get3A_423 : vector<1x16xf32> to vector<16xf32>
          %gt3A_425 = arith.cmpf ogt, %get3A_424, %select_n3A_354 : vector<16xf32>
          %select_n3A_426 = arith.select %gt3A_425, %get3A_424, %select_n3A_354 : vector<16xi1>, vector<16xf32>
          %broadcast_in_dim3A_427 = arith.constant 40 : i32
          %broadcast_in_dim3A_428 = vector.broadcast %broadcast_in_dim3A_427 : i32 to vector<16xi32>
          %select_n3A_429 = arith.select %gt3A_425, %broadcast_in_dim3A_428, %select_n3A_357 : vector<16xi1>, vector<16xi32>
          %get3A_430 = arith.index_cast %add3A_87 : i32 to index
          %get3A_431 = arith.constant 656 : index
          %get3A_432 = tpu.vector_load %arg4[%get3A_430, %get3A_431] {strides = array<i32>} : memref<32x1024xf32, #tpu.memory_space<vmem>>, vector<1x16xf32>,
          %get3A_433 = vector.shape_cast %get3A_432 : vector<1x16xf32> to vector<16xf32>
          %gt3A_434 = arith.cmpf ogt, %get3A_433, %select_n3A_363 : vector<16xf32>
          %select_n3A_435 = arith.select %gt3A_434, %get3A_433, %select_n3A_363 : vector<16xi1>, vector<16xf32>
          %broadcast_in_dim3A_436 = arith.constant 41 : i32
          %broadcast_in_dim3A_437 = vector.broadcast %broadcast_in_dim3A_436 : i32 to vector<16xi32>
          %select_n3A_438 = arith.select %gt3A_434, %broadcast_in_dim3A_437, %select_n3A_366 : vector<16xi1>, vector<16xi32>
          %get3A_439 = arith.index_cast %add3A_87 : i32 to index
          %get3A_440 = arith.constant 672 : index
          %get3A_441 = tpu.vector_load %arg4[%get3A_439, %get3A_440] {strides = array<i32>} : memref<32x1024xf32, #tpu.memory_space<vmem>>, vector<1x16xf32>,
          %get3A_442 = vector.shape_cast %get3A_441 : vector<1x16xf32> to vector<16xf32>
          %gt3A_443 = arith.cmpf ogt, %get3A_442, %select_n3A_372 : vector<16xf32>
          %select_n3A_444 = arith.select %gt3A_443, %get3A_442, %select_n3A_372 : vector<16xi1>, vector<16xf32>
          %broadcast_in_dim3A_445 = arith.constant 42 : i32
          %broadcast_in_dim3A_446 = vector.broadcast %broadcast_in_dim3A_445 : i32 to vector<16xi32>
          %select_n3A_447 = arith.select %gt3A_443, %broadcast_in_dim3A_446, %select_n3A_375 : vector<16xi1>, vector<16xi32>
          %get3A_448 = arith.index_cast %add3A_87 : i32 to index
          %get3A_449 = arith.constant 688 : index
          %get3A_450 = tpu.vector_load %arg4[%get3A_448, %get3A_449] {strides = array<i32>} : memref<32x1024xf32, #tpu.memory_space<vmem>>, vector<1x16xf32>,
          %get3A_451 = vector.shape_cast %get3A_450 : vector<1x16xf32> to vector<16xf32>
          %gt3A_452 = arith.cmpf ogt, %get3A_451, %select_n3A_381 : vector<16xf32>
          %select_n3A_453 = arith.select %gt3A_452, %get3A_451, %select_n3A_381 : vector<16xi1>, vector<16xf32>
          %broadcast_in_dim3A_454 = arith.constant 43 : i32
          %broadcast_in_dim3A_455 = vector.broadcast %broadcast_in_dim3A_454 : i32 to vector<16xi32>
          %select_n3A_456 = arith.select %gt3A_452, %broadcast_in_dim3A_455, %select_n3A_384 : vector<16xi1>, vector<16xi32>
          %get3A_457 = arith.index_cast %add3A_87 : i32 to index
          %get3A_458 = arith.constant 704 : index
          %get3A_459 = tpu.vector_load %arg4[%get3A_457, %get3A_458] {strides = array<i32>} : memref<32x1024xf32, #tpu.memory_space<vmem>>, vector<1x16xf32>,
          %get3A_460 = vector.shape_cast %get3A_459 : vector<1x16xf32> to vector<16xf32>
          %gt3A_461 = arith.cmpf ogt, %get3A_460, %select_n3A_390 : vector<16xf32>
          %select_n3A_462 = arith.select %gt3A_461, %get3A_460, %select_n3A_390 : vector<16xi1>, vector<16xf32>
          %broadcast_in_dim3A_463 = arith.constant 44 : i32
          %broadcast_in_dim3A_464 = vector.broadcast %broadcast_in_dim3A_463 : i32 to vector<16xi32>
          %select_n3A_465 = arith.select %gt3A_461, %broadcast_in_dim3A_464, %select_n3A_393 : vector<16xi1>, vector<16xi32>
          %get3A_466 = arith.index_cast %add3A_87 : i32 to index
          %get3A_467 = arith.constant 720 : index
          %get3A_468 = tpu.vector_load %arg4[%get3A_466, %get3A_467] {strides = array<i32>} : memref<32x1024xf32, #tpu.memory_space<vmem>>, vector<1x16xf32>,
          %get3A_469 = vector.shape_cast %get3A_468 : vector<1x16xf32> to vector<16xf32>
          %gt3A_470 = arith.cmpf ogt, %get3A_469, %select_n3A_399 : vector<16xf32>
          %select_n3A_471 = arith.select %gt3A_470, %get3A_469, %select_n3A_399 : vector<16xi1>, vector<16xf32>
          %broadcast_in_dim3A_472 = arith.constant 45 : i32
          %broadcast_in_dim3A_473 = vector.broadcast %broadcast_in_dim3A_472 : i32 to vector<16xi32>
          %select_n3A_474 = arith.select %gt3A_470, %broadcast_in_dim3A_473, %select_n3A_402 : vector<16xi1>, vector<16xi32>
          %get3A_475 = arith.index_cast %add3A_87 : i32 to index
          %get3A_476 = arith.constant 736 : index
          %get3A_477 = tpu.vector_load %arg4[%get3A_475, %get3A_476] {strides = array<i32>} : memref<32x1024xf32, #tpu.memory_space<vmem>>, vector<1x16xf32>,
          %get3A_478 = vector.shape_cast %get3A_477 : vector<1x16xf32> to vector<16xf32>
          %gt3A_479 = arith.cmpf ogt, %get3A_478, %select_n3A_408 : vector<16xf32>
          %select_n3A_480 = arith.select %gt3A_479, %get3A_478, %select_n3A_408 : vector<16xi1>, vector<16xf32>
          %broadcast_in_dim3A_481 = arith.constant 46 : i32
          %broadcast_in_dim3A_482 = vector.broadcast %broadcast_in_dim3A_481 : i32 to vector<16xi32>
          %select_n3A_483 = arith.select %gt3A_479, %broadcast_in_dim3A_482, %select_n3A_411 : vector<16xi1>, vector<16xi32>
          %get3A_484 = arith.index_cast %add3A_87 : i32 to index
          %get3A_485 = arith.constant 752 : index
          %get3A_486 = tpu.vector_load %arg4[%get3A_484, %get3A_485] {strides = array<i32>} : memref<32x1024xf32, #tpu.memory_space<vmem>>, vector<1x16xf32>,
          %get3A_487 = vector.shape_cast %get3A_486 : vector<1x16xf32> to vector<16xf32>
          %gt3A_488 = arith.cmpf ogt, %get3A_487, %select_n3A_417 : vector<16xf32>
          %select_n3A_489 = arith.select %gt3A_488, %get3A_487, %select_n3A_417 : vector<16xi1>, vector<16xf32>
          %broadcast_in_dim3A_490 = arith.constant 47 : i32
          %broadcast_in_dim3A_491 = vector.broadcast %broadcast_in_dim3A_490 : i32 to vector<16xi32>
          %select_n3A_492 = arith.select %gt3A_488, %broadcast_in_dim3A_491, %select_n3A_420 : vector<16xi1>, vector<16xi32>
          %get3A_493 = arith.index_cast %add3A_87 : i32 to index
          %get3A_494 = arith.constant 768 : index
          %get3A_495 = tpu.vector_load %arg4[%get3A_493, %get3A_494] {strides = array<i32>} : memref<32x1024xf32, #tpu.memory_space<vmem>>, vector<1x16xf32>,
          %get3A_496 = vector.shape_cast %get3A_495 : vector<1x16xf32> to vector<16xf32>
          %gt3A_497 = arith.cmpf ogt, %get3A_496, %select_n3A_426 : vector<16xf32>
          %select_n3A_498 = arith.select %gt3A_497, %get3A_496, %select_n3A_426 : vector<16xi1>, vector<16xf32>
          %broadcast_in_dim3A_499 = arith.constant 48 : i32
          %broadcast_in_dim3A_500 = vector.broadcast %broadcast_in_dim3A_499 : i32 to vector<16xi32>
          %select_n3A_501 = arith.select %gt3A_497, %broadcast_in_dim3A_500, %select_n3A_429 : vector<16xi1>, vector<16xi32>
          %get3A_502 = arith.index_cast %add3A_87 : i32 to index
          %get3A_503 = arith.constant 784 : index
          %get3A_504 = tpu.vector_load %arg4[%get3A_502, %get3A_503] {strides = array<i32>} : memref<32x1024xf32, #tpu.memory_space<vmem>>, vector<1x16xf32>,
          %get3A_505 = vector.shape_cast %get3A_504 : vector<1x16xf32> to vector<16xf32>
          %gt3A_506 = arith.cmpf ogt, %get3A_505, %select_n3A_435 : vector<16xf32>
          %select_n3A_507 = arith.select %gt3A_506, %get3A_505, %select_n3A_435 : vector<16xi1>, vector<16xf32>
          %broadcast_in_dim3A_508 = arith.constant 49 : i32
          %broadcast_in_dim3A_509 = vector.broadcast %broadcast_in_dim3A_508 : i32 to vector<16xi32>
          %select_n3A_510 = arith.select %gt3A_506, %broadcast_in_dim3A_509, %select_n3A_438 : vector<16xi1>, vector<16xi32>
          %get3A_511 = arith.index_cast %add3A_87 : i32 to index
          %get3A_512 = arith.constant 800 : index
          %get3A_513 = tpu.vector_load %arg4[%get3A_511, %get3A_512] {strides = array<i32>} : memref<32x1024xf32, #tpu.memory_space<vmem>>, vector<1x16xf32>,
          %get3A_514 = vector.shape_cast %get3A_513 : vector<1x16xf32> to vector<16xf32>
          %gt3A_515 = arith.cmpf ogt, %get3A_514, %select_n3A_444 : vector<16xf32>
          %select_n3A_516 = arith.select %gt3A_515, %get3A_514, %select_n3A_444 : vector<16xi1>, vector<16xf32>
          %broadcast_in_dim3A_517 = arith.constant 50 : i32
          %broadcast_in_dim3A_518 = vector.broadcast %broadcast_in_dim3A_517 : i32 to vector<16xi32>
          %select_n3A_519 = arith.select %gt3A_515, %broadcast_in_dim3A_518, %select_n3A_447 : vector<16xi1>, vector<16xi32>
          %get3A_520 = arith.index_cast %add3A_87 : i32 to index
          %get3A_521 = arith.constant 816 : index
          %get3A_522 = tpu.vector_load %arg4[%get3A_520, %get3A_521] {strides = array<i32>} : memref<32x1024xf32, #tpu.memory_space<vmem>>, vector<1x16xf32>,
          %get3A_523 = vector.shape_cast %get3A_522 : vector<1x16xf32> to vector<16xf32>
          %gt3A_524 = arith.cmpf ogt, %get3A_523, %select_n3A_453 : vector<16xf32>
          %select_n3A_525 = arith.select %gt3A_524, %get3A_523, %select_n3A_453 : vector<16xi1>, vector<16xf32>
          %broadcast_in_dim3A_526 = arith.constant 51 : i32
          %broadcast_in_dim3A_527 = vector.broadcast %broadcast_in_dim3A_526 : i32 to vector<16xi32>
          %select_n3A_528 = arith.select %gt3A_524, %broadcast_in_dim3A_527, %select_n3A_456 : vector<16xi1>, vector<16xi32>
          %get3A_529 = arith.index_cast %add3A_87 : i32 to index
          %get3A_530 = arith.constant 832 : index
          %get3A_531 = tpu.vector_load %arg4[%get3A_529, %get3A_530] {strides = array<i32>} : memref<32x1024xf32, #tpu.memory_space<vmem>>, vector<1x16xf32>,
          %get3A_532 = vector.shape_cast %get3A_531 : vector<1x16xf32> to vector<16xf32>
          %gt3A_533 = arith.cmpf ogt, %get3A_532, %select_n3A_462 : vector<16xf32>
          %select_n3A_534 = arith.select %gt3A_533, %get3A_532, %select_n3A_462 : vector<16xi1>, vector<16xf32>
          %broadcast_in_dim3A_535 = arith.constant 52 : i32
          %broadcast_in_dim3A_536 = vector.broadcast %broadcast_in_dim3A_535 : i32 to vector<16xi32>
          %select_n3A_537 = arith.select %gt3A_533, %broadcast_in_dim3A_536, %select_n3A_465 : vector<16xi1>, vector<16xi32>
          %get3A_538 = arith.index_cast %add3A_87 : i32 to index
          %get3A_539 = arith.constant 848 : index
          %get3A_540 = tpu.vector_load %arg4[%get3A_538, %get3A_539] {strides = array<i32>} : memref<32x1024xf32, #tpu.memory_space<vmem>>, vector<1x16xf32>,
          %get3A_541 = vector.shape_cast %get3A_540 : vector<1x16xf32> to vector<16xf32>
          %gt3A_542 = arith.cmpf ogt, %get3A_541, %select_n3A_471 : vector<16xf32>
          %select_n3A_543 = arith.select %gt3A_542, %get3A_541, %select_n3A_471 : vector<16xi1>, vector<16xf32>
          %broadcast_in_dim3A_544 = arith.constant 53 : i32
          %broadcast_in_dim3A_545 = vector.broadcast %broadcast_in_dim3A_544 : i32 to vector<16xi32>
          %select_n3A_546 = arith.select %gt3A_542, %broadcast_in_dim3A_545, %select_n3A_474 : vector<16xi1>, vector<16xi32>
          %get3A_547 = arith.index_cast %add3A_87 : i32 to index
          %get3A_548 = arith.constant 864 : index
          %get3A_549 = tpu.vector_load %arg4[%get3A_547, %get3A_548] {strides = array<i32>} : memref<32x1024xf32, #tpu.memory_space<vmem>>, vector<1x16xf32>,
          %get3A_550 = vector.shape_cast %get3A_549 : vector<1x16xf32> to vector<16xf32>
          %gt3A_551 = arith.cmpf ogt, %get3A_550, %select_n3A_480 : vector<16xf32>
          %select_n3A_552 = arith.select %gt3A_551, %get3A_550, %select_n3A_480 : vector<16xi1>, vector<16xf32>
          %broadcast_in_dim3A_553 = arith.constant 54 : i32
          %broadcast_in_dim3A_554 = vector.broadcast %broadcast_in_dim3A_553 : i32 to vector<16xi32>
          %select_n3A_555 = arith.select %gt3A_551, %broadcast_in_dim3A_554, %select_n3A_483 : vector<16xi1>, vector<16xi32>
          %get3A_556 = arith.index_cast %add3A_87 : i32 to index
          %get3A_557 = arith.constant 880 : index
          %get3A_558 = tpu.vector_load %arg4[%get3A_556, %get3A_557] {strides = array<i32>} : memref<32x1024xf32, #tpu.memory_space<vmem>>, vector<1x16xf32>,
          %get3A_559 = vector.shape_cast %get3A_558 : vector<1x16xf32> to vector<16xf32>
          %gt3A_560 = arith.cmpf ogt, %get3A_559, %select_n3A_489 : vector<16xf32>
          %select_n3A_561 = arith.select %gt3A_560, %get3A_559, %select_n3A_489 : vector<16xi1>, vector<16xf32>
          %broadcast_in_dim3A_562 = arith.constant 55 : i32
          %broadcast_in_dim3A_563 = vector.broadcast %broadcast_in_dim3A_562 : i32 to vector<16xi32>
          %select_n3A_564 = arith.select %gt3A_560, %broadcast_in_dim3A_563, %select_n3A_492 : vector<16xi1>, vector<16xi32>
          %get3A_565 = arith.index_cast %add3A_87 : i32 to index
          %get3A_566 = arith.constant 896 : index
          %get3A_567 = tpu.vector_load %arg4[%get3A_565, %get3A_566] {strides = array<i32>} : memref<32x1024xf32, #tpu.memory_space<vmem>>, vector<1x16xf32>,
          %get3A_568 = vector.shape_cast %get3A_567 : vector<1x16xf32> to vector<16xf32>
          %gt3A_569 = arith.cmpf ogt, %get3A_568, %select_n3A_498 : vector<16xf32>
          %select_n3A_570 = arith.select %gt3A_569, %get3A_568, %select_n3A_498 : vector<16xi1>, vector<16xf32>
          %broadcast_in_dim3A_571 = arith.constant 56 : i32
          %broadcast_in_dim3A_572 = vector.broadcast %broadcast_in_dim3A_571 : i32 to vector<16xi32>
          %select_n3A_573 = arith.select %gt3A_569, %broadcast_in_dim3A_572, %select_n3A_501 : vector<16xi1>, vector<16xi32>
          %get3A_574 = arith.index_cast %add3A_87 : i32 to index
          %get3A_575 = arith.constant 912 : index
          %get3A_576 = tpu.vector_load %arg4[%get3A_574, %get3A_575] {strides = array<i32>} : memref<32x1024xf32, #tpu.memory_space<vmem>>, vector<1x16xf32>,
          %get3A_577 = vector.shape_cast %get3A_576 : vector<1x16xf32> to vector<16xf32>
          %gt3A_578 = arith.cmpf ogt, %get3A_577, %select_n3A_507 : vector<16xf32>
          %select_n3A_579 = arith.select %gt3A_578, %get3A_577, %select_n3A_507 : vector<16xi1>, vector<16xf32>
          %broadcast_in_dim3A_580 = arith.constant 57 : i32
          %broadcast_in_dim3A_581 = vector.broadcast %broadcast_in_dim3A_580 : i32 to vector<16xi32>
          %select_n3A_582 = arith.select %gt3A_578, %broadcast_in_dim3A_581, %select_n3A_510 : vector<16xi1>, vector<16xi32>
          %get3A_583 = arith.index_cast %add3A_87 : i32 to index
          %get3A_584 = arith.constant 928 : index
          %get3A_585 = tpu.vector_load %arg4[%get3A_583, %get3A_584] {strides = array<i32>} : memref<32x1024xf32, #tpu.memory_space<vmem>>, vector<1x16xf32>,
          %get3A_586 = vector.shape_cast %get3A_585 : vector<1x16xf32> to vector<16xf32>
          %gt3A_587 = arith.cmpf ogt, %get3A_586, %select_n3A_516 : vector<16xf32>
          %select_n3A_588 = arith.select %gt3A_587, %get3A_586, %select_n3A_516 : vector<16xi1>, vector<16xf32>
          %broadcast_in_dim3A_589 = arith.constant 58 : i32
          %broadcast_in_dim3A_590 = vector.broadcast %broadcast_in_dim3A_589 : i32 to vector<16xi32>
          %select_n3A_591 = arith.select %gt3A_587, %broadcast_in_dim3A_590, %select_n3A_519 : vector<16xi1>, vector<16xi32>
          %get3A_592 = arith.index_cast %add3A_87 : i32 to index
          %get3A_593 = arith.constant 944 : index
          %get3A_594 = tpu.vector_load %arg4[%get3A_592, %get3A_593] {strides = array<i32>} : memref<32x1024xf32, #tpu.memory_space<vmem>>, vector<1x16xf32>,
          %get3A_595 = vector.shape_cast %get3A_594 : vector<1x16xf32> to vector<16xf32>
          %gt3A_596 = arith.cmpf ogt, %get3A_595, %select_n3A_525 : vector<16xf32>
          %select_n3A_597 = arith.select %gt3A_596, %get3A_595, %select_n3A_525 : vector<16xi1>, vector<16xf32>
          %broadcast_in_dim3A_598 = arith.constant 59 : i32
          %broadcast_in_dim3A_599 = vector.broadcast %broadcast_in_dim3A_598 : i32 to vector<16xi32>
          %select_n3A_600 = arith.select %gt3A_596, %broadcast_in_dim3A_599, %select_n3A_528 : vector<16xi1>, vector<16xi32>
          %get3A_601 = arith.index_cast %add3A_87 : i32 to index
          %get3A_602 = arith.constant 960 : index
          %get3A_603 = tpu.vector_load %arg4[%get3A_601, %get3A_602] {strides = array<i32>} : memref<32x1024xf32, #tpu.memory_space<vmem>>, vector<1x16xf32>,
          %get3A_604 = vector.shape_cast %get3A_603 : vector<1x16xf32> to vector<16xf32>
          %gt3A_605 = arith.cmpf ogt, %get3A_604, %select_n3A_534 : vector<16xf32>
          %select_n3A_606 = arith.select %gt3A_605, %get3A_604, %select_n3A_534 : vector<16xi1>, vector<16xf32>
          %broadcast_in_dim3A_607 = arith.constant 60 : i32
          %broadcast_in_dim3A_608 = vector.broadcast %broadcast_in_dim3A_607 : i32 to vector<16xi32>
          %select_n3A_609 = arith.select %gt3A_605, %broadcast_in_dim3A_608, %select_n3A_537 : vector<16xi1>, vector<16xi32>
          %get3A_610 = arith.index_cast %add3A_87 : i32 to index
          %get3A_611 = arith.constant 976 : index
          %get3A_612 = tpu.vector_load %arg4[%get3A_610, %get3A_611] {strides = array<i32>} : memref<32x1024xf32, #tpu.memory_space<vmem>>, vector<1x16xf32>,
          %get3A_613 = vector.shape_cast %get3A_612 : vector<1x16xf32> to vector<16xf32>
          %gt3A_614 = arith.cmpf ogt, %get3A_613, %select_n3A_543 : vector<16xf32>
          %select_n3A_615 = arith.select %gt3A_614, %get3A_613, %select_n3A_543 : vector<16xi1>, vector<16xf32>
          %broadcast_in_dim3A_616 = arith.constant 61 : i32
          %broadcast_in_dim3A_617 = vector.broadcast %broadcast_in_dim3A_616 : i32 to vector<16xi32>
          %select_n3A_618 = arith.select %gt3A_614, %broadcast_in_dim3A_617, %select_n3A_546 : vector<16xi1>, vector<16xi32>
          %get3A_619 = arith.index_cast %add3A_87 : i32 to index
          %get3A_620 = arith.constant 992 : index
          %get3A_621 = tpu.vector_load %arg4[%get3A_619, %get3A_620] {strides = array<i32>} : memref<32x1024xf32, #tpu.memory_space<vmem>>, vector<1x16xf32>,
          %get3A_622 = vector.shape_cast %get3A_621 : vector<1x16xf32> to vector<16xf32>
          %gt3A_623 = arith.cmpf ogt, %get3A_622, %select_n3A_552 : vector<16xf32>
          %select_n3A_624 = arith.select %gt3A_623, %get3A_622, %select_n3A_552 : vector<16xi1>, vector<16xf32>
          %broadcast_in_dim3A_625 = arith.constant 62 : i32
          %broadcast_in_dim3A_626 = vector.broadcast %broadcast_in_dim3A_625 : i32 to vector<16xi32>
          %select_n3A_627 = arith.select %gt3A_623, %broadcast_in_dim3A_626, %select_n3A_555 : vector<16xi1>, vector<16xi32>
          %get3A_628 = arith.index_cast %add3A_87 : i32 to index
          %get3A_629 = arith.constant 1008 : index
          %get3A_630 = tpu.vector_load %arg4[%get3A_628, %get3A_629] {strides = array<i32>} : memref<32x1024xf32, #tpu.memory_space<vmem>>, vector<1x16xf32>,
          %get3A_631 = vector.shape_cast %get3A_630 : vector<1x16xf32> to vector<16xf32>
          %gt3A_632 = arith.cmpf ogt, %get3A_631, %select_n3A_561 : vector<16xf32>
          %select_n3A_633 = arith.select %gt3A_632, %get3A_631, %select_n3A_561 : vector<16xi1>, vector<16xf32>
          %broadcast_in_dim3A_634 = arith.constant 63 : i32
          %broadcast_in_dim3A_635 = vector.broadcast %broadcast_in_dim3A_634 : i32 to vector<16xi32>
          %select_n3A_636 = arith.select %gt3A_632, %broadcast_in_dim3A_635, %select_n3A_564 : vector<16xi1>, vector<16xi32>
          %gt3A_637 = arith.cmpf ogt, %select_n3A_579, %select_n3A_570 : vector<16xf32>
          %eq3A = arith.cmpf oeq, %select_n3A_579, %select_n3A_570 : vector<16xf32>
          %lt3A_638 = arith.cmpi slt, %select_n3A_582, %select_n3A_573 : vector<16xi32>
          %and3A = arith.andi %eq3A, %lt3A_638 : vector<16xi1>
          %or3A = arith.ori %gt3A_637, %and3A : vector<16xi1>
          %select_n3A_639 = arith.select %or3A, %select_n3A_579, %select_n3A_570 : vector<16xi1>, vector<16xf32>
          %select_n3A_640 = arith.select %or3A, %select_n3A_582, %select_n3A_573 : vector<16xi1>, vector<16xi32>
          %gt3A_641 = arith.cmpf ogt, %select_n3A_597, %select_n3A_588 : vector<16xf32>
          %eq3A_642 = arith.cmpf oeq, %select_n3A_597, %select_n3A_588 : vector<16xf32>
          %lt3A_643 = arith.cmpi slt, %select_n3A_600, %select_n3A_591 : vector<16xi32>
          %and3A_644 = arith.andi %eq3A_642, %lt3A_643 : vector<16xi1>
          %or3A_645 = arith.ori %gt3A_641, %and3A_644 : vector<16xi1>
          %select_n3A_646 = arith.select %or3A_645, %select_n3A_597, %select_n3A_588 : vector<16xi1>, vector<16xf32>
          %select_n3A_647 = arith.select %or3A_645, %select_n3A_600, %select_n3A_591 : vector<16xi1>, vector<16xi32>
          %gt3A_648 = arith.cmpf ogt, %select_n3A_615, %select_n3A_606 : vector<16xf32>
          %eq3A_649 = arith.cmpf oeq, %select_n3A_615, %select_n3A_606 : vector<16xf32>
          %lt3A_650 = arith.cmpi slt, %select_n3A_618, %select_n3A_609 : vector<16xi32>
          %and3A_651 = arith.andi %eq3A_649, %lt3A_650 : vector<16xi1>
          %or3A_652 = arith.ori %gt3A_648, %and3A_651 : vector<16xi1>
          %select_n3A_653 = arith.select %or3A_652, %select_n3A_615, %select_n3A_606 : vector<16xi1>, vector<16xf32>
          %select_n3A_654 = arith.select %or3A_652, %select_n3A_618, %select_n3A_609 : vector<16xi1>, vector<16xi32>
          %gt3A_655 = arith.cmpf ogt, %select_n3A_633, %select_n3A_624 : vector<16xf32>
          %eq3A_656 = arith.cmpf oeq, %select_n3A_633, %select_n3A_624 : vector<16xf32>
          %lt3A_657 = arith.cmpi slt, %select_n3A_636, %select_n3A_627 : vector<16xi32>
          %and3A_658 = arith.andi %eq3A_656, %lt3A_657 : vector<16xi1>
          %or3A_659 = arith.ori %gt3A_655, %and3A_658 : vector<16xi1>
          %select_n3A_660 = arith.select %or3A_659, %select_n3A_633, %select_n3A_624 : vector<16xi1>, vector<16xf32>
          %select_n3A_661 = arith.select %or3A_659, %select_n3A_636, %select_n3A_627 : vector<16xi1>, vector<16xi32>
          %gt3A_662 = arith.cmpf ogt, %select_n3A_646, %select_n3A_639 : vector<16xf32>
          %eq3A_663 = arith.cmpf oeq, %select_n3A_646, %select_n3A_639 : vector<16xf32>
          %lt3A_664 = arith.cmpi slt, %select_n3A_647, %select_n3A_640 : vector<16xi32>
          %and3A_665 = arith.andi %eq3A_663, %lt3A_664 : vector<16xi1>
          %or3A_666 = arith.ori %gt3A_662, %and3A_665 : vector<16xi1>
          %select_n3A_667 = arith.select %or3A_666, %select_n3A_646, %select_n3A_639 : vector<16xi1>, vector<16xf32>
          %select_n3A_668 = arith.select %or3A_666, %select_n3A_647, %select_n3A_640 : vector<16xi1>, vector<16xi32>
          %gt3A_669 = arith.cmpf ogt, %select_n3A_660, %select_n3A_653 : vector<16xf32>
          %eq3A_670 = arith.cmpf oeq, %select_n3A_660, %select_n3A_653 : vector<16xf32>
          %lt3A_671 = arith.cmpi slt, %select_n3A_661, %select_n3A_654 : vector<16xi32>
          %and3A_672 = arith.andi %eq3A_670, %lt3A_671 : vector<16xi1>
          %or3A_673 = arith.ori %gt3A_669, %and3A_672 : vector<16xi1>
          %select_n3A_674 = arith.select %or3A_673, %select_n3A_660, %select_n3A_653 : vector<16xi1>, vector<16xf32>
          %select_n3A_675 = arith.select %or3A_673, %select_n3A_661, %select_n3A_654 : vector<16xi1>, vector<16xi32>
          %gt3A_676 = arith.cmpf ogt, %select_n3A_674, %select_n3A_667 : vector<16xf32>
          %eq3A_677 = arith.cmpf oeq, %select_n3A_674, %select_n3A_667 : vector<16xf32>
          %lt3A_678 = arith.cmpi slt, %select_n3A_675, %select_n3A_668 : vector<16xi32>
          %and3A_679 = arith.andi %eq3A_677, %lt3A_678 : vector<16xi1>
          %or3A_680 = arith.ori %gt3A_676, %and3A_679 : vector<16xi1>
          %select_n3A_681 = arith.select %or3A_680, %select_n3A_674, %select_n3A_667 : vector<16xi1>, vector<16xf32>
          %select_n3A_682 = arith.select %or3A_680, %select_n3A_675, %select_n3A_668 : vector<16xi1>, vector<16xi32>
          %add3A_683 = arith.constant 1 : i32
          %add3A_684 = vector.broadcast %add3A_683 : i32 to vector<16xi32>
          %add3A_685 = arith.addi %iota3A, %add3A_684 : vector<16xi32>
          %and3A_686 = arith.constant 15 : i32
          %and3A_687 = vector.broadcast %and3A_686 : i32 to vector<16xi32>
          %and3A_688 = arith.andi %add3A_685, %and3A_687 : vector<16xi32>
          %broadcast_in_dim3A_689 = vector.shape_cast %and3A_688 : vector<16xi32> to vector<16x1xi32>
          %gather3A = vector.shape_cast %broadcast_in_dim3A_689 : vector<16x1xi32> to vector<16xi32>
          %gather3A_690 = tpu.dynamic_gather %select_n3A_681[%gather3A] in [0] : vector<16xf32>, vector<16xi32> -> vector<16xf32>
          %max3A = arith.maximumf %select_n3A_681, %gather3A_690 : vector<16xf32>
          %add3A_691 = arith.constant 2 : i32
          %add3A_692 = vector.broadcast %add3A_691 : i32 to vector<16xi32>
          %add3A_693 = arith.addi %iota3A, %add3A_692 : vector<16xi32>
          %and3A_694 = arith.constant 15 : i32
          %and3A_695 = vector.broadcast %and3A_694 : i32 to vector<16xi32>
          %and3A_696 = arith.andi %add3A_693, %and3A_695 : vector<16xi32>
          %broadcast_in_dim3A_697 = vector.shape_cast %and3A_696 : vector<16xi32> to vector<16x1xi32>
          %gather3A_698 = vector.shape_cast %broadcast_in_dim3A_697 : vector<16x1xi32> to vector<16xi32>
          %gather3A_699 = tpu.dynamic_gather %max3A[%gather3A_698] in [0] : vector<16xf32>, vector<16xi32> -> vector<16xf32>
          %max3A_700 = arith.maximumf %max3A, %gather3A_699 : vector<16xf32>
          %add3A_701 = arith.constant 4 : i32
          %add3A_702 = vector.broadcast %add3A_701 : i32 to vector<16xi32>
          %add3A_703 = arith.addi %iota3A, %add3A_702 : vector<16xi32>
          %and3A_704 = arith.constant 15 : i32
          %and3A_705 = vector.broadcast %and3A_704 : i32 to vector<16xi32>
          %and3A_706 = arith.andi %add3A_703, %and3A_705 : vector<16xi32>
          %broadcast_in_dim3A_707 = vector.shape_cast %and3A_706 : vector<16xi32> to vector<16x1xi32>
          %gather3A_708 = vector.shape_cast %broadcast_in_dim3A_707 : vector<16x1xi32> to vector<16xi32>
          %gather3A_709 = tpu.dynamic_gather %max3A_700[%gather3A_708] in [0] : vector<16xf32>, vector<16xi32> -> vector<16xf32>
          %max3A_710 = arith.maximumf %max3A_700, %gather3A_709 : vector<16xf32>
          %add3A_711 = arith.constant 8 : i32
          %add3A_712 = vector.broadcast %add3A_711 : i32 to vector<16xi32>
          %add3A_713 = arith.addi %iota3A, %add3A_712 : vector<16xi32>
          %and3A_714 = arith.constant 15 : i32
          %and3A_715 = vector.broadcast %and3A_714 : i32 to vector<16xi32>
          %and3A_716 = arith.andi %add3A_713, %and3A_715 : vector<16xi32>
          %broadcast_in_dim3A_717 = vector.shape_cast %and3A_716 : vector<16xi32> to vector<16x1xi32>
          %gather3A_718 = vector.shape_cast %broadcast_in_dim3A_717 : vector<16x1xi32> to vector<16xi32>
          %gather3A_719 = tpu.dynamic_gather %max3A_710[%gather3A_718] in [0] : vector<16xf32>, vector<16xi32> -> vector<16xf32>
          %max3A_720 = arith.maximumf %max3A_710, %gather3A_719 : vector<16xf32>
          %mul3A_721 = arith.constant 16 : i32
          %mul3A_722 = vector.broadcast %mul3A_721 : i32 to vector<16xi32>
          %mul3A_723 = arith.muli %select_n3A_682, %mul3A_722 : vector<16xi32>
          %add3A_724 = arith.addi %mul3A_723, %iota3A : vector<16xi32>
          %eq3A_725 = arith.cmpf oeq, %select_n3A_681, %max3A_720 : vector<16xf32>
          %select_n3A_726 = arith.select %eq3A_725, %add3A_724, %broadcast_in_dim3A_3 : vector<16xi1>, vector<16xi32>
          %add3A_727 = arith.constant 1 : i32
          %add3A_728 = vector.broadcast %add3A_727 : i32 to vector<16xi32>
          %add3A_729 = arith.addi %iota3A, %add3A_728 : vector<16xi32>
          %and3A_730 = arith.constant 15 : i32
          %and3A_731 = vector.broadcast %and3A_730 : i32 to vector<16xi32>
          %and3A_732 = arith.andi %add3A_729, %and3A_731 : vector<16xi32>
          %broadcast_in_dim3A_733 = vector.shape_cast %and3A_732 : vector<16xi32> to vector<16x1xi32>
          %gather3A_734 = vector.shape_cast %broadcast_in_dim3A_733 : vector<16x1xi32> to vector<16xi32>
          %gather3A_735 = tpu.dynamic_gather %select_n3A_726[%gather3A_734] in [0] : vector<16xi32>, vector<16xi32> -> vector<16xi32>
          %min3A = arith.minsi %select_n3A_726, %gather3A_735 : vector<16xi32>
          %add3A_736 = arith.constant 2 : i32
          %add3A_737 = vector.broadcast %add3A_736 : i32 to vector<16xi32>
          %add3A_738 = arith.addi %iota3A, %add3A_737 : vector<16xi32>
          %and3A_739 = arith.constant 15 : i32
          %and3A_740 = vector.broadcast %and3A_739 : i32 to vector<16xi32>
          %and3A_741 = arith.andi %add3A_738, %and3A_740 : vector<16xi32>
          %broadcast_in_dim3A_742 = vector.shape_cast %and3A_741 : vector<16xi32> to vector<16x1xi32>
          %gather3A_743 = vector.shape_cast %broadcast_in_dim3A_742 : vector<16x1xi32> to vector<16xi32>
          %gather3A_744 = tpu.dynamic_gather %min3A[%gather3A_743] in [0] : vector<16xi32>, vector<16xi32> -> vector<16xi32>
          %min3A_745 = arith.minsi %min3A, %gather3A_744 : vector<16xi32>
          %add3A_746 = arith.constant 4 : i32
          %add3A_747 = vector.broadcast %add3A_746 : i32 to vector<16xi32>
          %add3A_748 = arith.addi %iota3A, %add3A_747 : vector<16xi32>
          %and3A_749 = arith.constant 15 : i32
          %and3A_750 = vector.broadcast %and3A_749 : i32 to vector<16xi32>
          %and3A_751 = arith.andi %add3A_748, %and3A_750 : vector<16xi32>
          %broadcast_in_dim3A_752 = vector.shape_cast %and3A_751 : vector<16xi32> to vector<16x1xi32>
          %gather3A_753 = vector.shape_cast %broadcast_in_dim3A_752 : vector<16x1xi32> to vector<16xi32>
          %gather3A_754 = tpu.dynamic_gather %min3A_745[%gather3A_753] in [0] : vector<16xi32>, vector<16xi32> -> vector<16xi32>
          %min3A_755 = arith.minsi %min3A_745, %gather3A_754 : vector<16xi32>
          %add3A_756 = arith.constant 8 : i32
          %add3A_757 = vector.broadcast %add3A_756 : i32 to vector<16xi32>
          %add3A_758 = arith.addi %iota3A, %add3A_757 : vector<16xi32>
          %and3A_759 = arith.constant 15 : i32
          %and3A_760 = vector.broadcast %and3A_759 : i32 to vector<16xi32>
          %and3A_761 = arith.andi %add3A_758, %and3A_760 : vector<16xi32>
          %broadcast_in_dim3A_762 = vector.shape_cast %and3A_761 : vector<16xi32> to vector<16x1xi32>
          %gather3A_763 = vector.shape_cast %broadcast_in_dim3A_762 : vector<16x1xi32> to vector<16xi32>
          %gather3A_764 = tpu.dynamic_gather %min3A_755[%gather3A_763] in [0] : vector<16xi32>, vector<16xi32> -> vector<16xi32>
          %min3A_765 = arith.minsi %min3A_755, %gather3A_764 : vector<16xi32>
          %eq3A_766 = vector.broadcast %scan3A_83 : i32 to vector<16xi32>
          %eq3A_767 = arith.cmpi eq, %iota3A, %eq3A_766 : vector<16xi32>
          %select_n3A_768 = arith.select %eq3A_767, %min3A_765, %scan3A_84 : vector<16xi1>, vector<16xi32>
          scf.yield %select_n3A_768 : vector<16xi32>
        }
        %scan3A_73 = arith.constant 16 : i32
        %mul3A_74 = arith.constant 32 : i32
        %mul3A_75 = arith.muli %mul3A_18, %mul3A_74 : i32
        %mul3A_76 = arith.constant 16 : i32
        %mul3A_77 = arith.muli %scan3A_64, %mul3A_76 : i32
        %add3A_78 = arith.addi %mul3A_75, %mul3A_77 : i32
        %swap3A = arith.index_cast %add3A_78 : i32 to index
        %swap3A_79 = tpu.vector_load %arg6[%swap3A] {strides = array<i32>} : memref<128xi32, #tpu.memory_space<vmem>>, vector<16xi32>,
        %swap3A_80 = vector.shape_cast %swap3A_79 : vector<16xi32> to vector<16xi32>
        %swap3A_81 = vector.shape_cast %scan3A_72 : vector<16xi32> to vector<16xi32>
        tpu.vector_store %arg6[%swap3A], %swap3A_81 {strides = array<i32>} : memref<128xi32, #tpu.memory_space<vmem>>, vector<16xi32>,
        %scan3A_82 = arith.constant 0 : i32
        scf.yield %scan3A_82 : i32
      }
      %scan3A_40 = arith.constant 2 : i32
      %add3A_41 = arith.constant 1 : i32
      %add3A_42 = arith.addi %mul3A_18, %add3A_41 : i32
      %mul3A_43 = arith.constant 32 : i32
      %mul3A_44 = arith.muli %add3A_42, %mul3A_43 : i32
      %add3A_45 = arith.addi %mul3A_2, %mul3A_44 : i32
      %dma_wait3A_46 = arith.constant 0 : i32
      %dma_wait3A_47 = tpu.memref_slice %arg2[%add3A_45, %dma_wait3A_46] : memref<16384x1024xf32, #tpu.memory_space<hbm>> -> memref<32x1024xf32, #tpu.memory_space<hbm>>
      %dma_wait3A_48 = arith.constant 0 : i32
      %dma_wait3A_49 = tpu.memref_slice %arg2[%add3A_45, %dma_wait3A_48] : memref<16384x1024xf32, #tpu.memory_space<hbm>> -> memref<32x1024xf32, #tpu.memory_space<hbm>>
      tpu.wait_dma2 semaphore(%arg8 : memref<!tpu.dma_semaphore, #tpu.memory_space<semaphore_mem>>) src(%dma_wait3A_49 : memref<32x1024xf32, #tpu.memory_space<hbm>>) dst(%arg5 : memref<32x1024xf32, #tpu.memory_space<vmem>>)
      %add3A_50 = arith.constant 2 : i32
      %add3A_51 = arith.addi %mul3A_18, %add3A_50 : i32
      %lt3A = arith.constant 4 : i32
      %lt3A_52 = arith.cmpi slt, %add3A_51, %lt3A : i32
      %convert_element_type3A = arith.extui %lt3A_52 : i1 to i32
      %cond3A = arith.constant 0 : i32
      %cond3A_53 = arith.cmpi ne, %convert_element_type3A, %cond3A : i32
      scf.if %cond3A_53 {
        %add3A_64 = arith.constant 2 : i32
        %add3A_65 = arith.addi %mul3A_18, %add3A_64 : i32
        %mul3A_66 = arith.constant 32 : i32
        %mul3A_67 = arith.muli %add3A_65, %mul3A_66 : i32
        %add3A_68 = arith.addi %mul3A_2, %mul3A_67 : i32
        %dma_start3A_69 = arith.constant 0 : i32
        %dma_start3A_70 = tpu.memref_slice %arg2[%add3A_68, %dma_start3A_69] : memref<16384x1024xf32, #tpu.memory_space<hbm>> -> memref<32x1024xf32, #tpu.memory_space<hbm>>
        %dma_start3A_71 = arith.constant 0 : i32
        %dma_start3A_72 = tpu.memref_slice %arg2[%add3A_68, %dma_start3A_71] : memref<16384x1024xf32, #tpu.memory_space<hbm>> -> memref<32x1024xf32, #tpu.memory_space<hbm>>
        tpu.enqueue_dma source(%dma_start3A_72 : memref<32x1024xf32, #tpu.memory_space<hbm>>) target(%arg4 : memref<32x1024xf32, #tpu.memory_space<vmem>>) target_semaphore(%arg7 : memref<!tpu.dma_semaphore, #tpu.memory_space<semaphore_mem>>)
      } else {
      }
      %add3A_54 = arith.constant 1 : i32
      %add3A_55 = arith.addi %mul3A_18, %add3A_54 : i32
      %scan3A_56 = arith.constant 0 : i32
      %scan3A_57 = arith.constant 0 : i32
      %scan3A_58 = arith.constant 2 : i32
      %scan3A_59 = arith.addi %scan3A_57, %scan3A_58 : i32
      %scan3A_60 = arith.constant 1 : i32
      %scan3A_61 = scf.for %scan3A_64 = %scan3A_57 to %scan3A_59 step %scan3A_60 iter_args(%scan3A_65 = %scan3A_56) -> (i32)  : i32 {
        %broadcast_in_dim3A_66 = arith.constant 0 : i32
        %broadcast_in_dim3A_67 = vector.broadcast %broadcast_in_dim3A_66 : i32 to vector<16xi32>
        %scan3A_68 = arith.constant 0 : i32
        %scan3A_69 = arith.constant 16 : i32
        %scan3A_70 = arith.addi %scan3A_68, %scan3A_69 : i32
        %scan3A_71 = arith.constant 1 : i32
        %scan3A_72 = scf.for %scan3A_83 = %scan3A_68 to %scan3A_70 step %scan3A_71 iter_args(%scan3A_84 = %broadcast_in_dim3A_67) -> (vector<16xi32>)  : i32 {
          %mul3A_85 = arith.constant 16 : i32
          %mul3A_86 = arith.muli %scan3A_64, %mul3A_85 : i32
          %add3A_87 = arith.addi %mul3A_86, %scan3A_83 : i32
          %get3A = arith.index_cast %add3A_87 : i32 to index
          %get3A_88 = arith.constant 0 : index
          %get3A_89 = tpu.vector_load %arg5[%get3A, %get3A_88] {strides = array<i32>} : memref<32x1024xf32, #tpu.memory_space<vmem>>, vector<1x16xf32>,
          %get3A_90 = vector.shape_cast %get3A_89 : vector<1x16xf32> to vector<16xf32>
          %get3A_91 = arith.index_cast %add3A_87 : i32 to index
          %get3A_92 = arith.constant 16 : index
          %get3A_93 = tpu.vector_load %arg5[%get3A_91, %get3A_92] {strides = array<i32>} : memref<32x1024xf32, #tpu.memory_space<vmem>>, vector<1x16xf32>,
          %get3A_94 = vector.shape_cast %get3A_93 : vector<1x16xf32> to vector<16xf32>
          %get3A_95 = arith.index_cast %add3A_87 : i32 to index
          %get3A_96 = arith.constant 32 : index
          %get3A_97 = tpu.vector_load %arg5[%get3A_95, %get3A_96] {strides = array<i32>} : memref<32x1024xf32, #tpu.memory_space<vmem>>, vector<1x16xf32>,
          %get3A_98 = vector.shape_cast %get3A_97 : vector<1x16xf32> to vector<16xf32>
          %get3A_99 = arith.index_cast %add3A_87 : i32 to index
          %get3A_100 = arith.constant 48 : index
          %get3A_101 = tpu.vector_load %arg5[%get3A_99, %get3A_100] {strides = array<i32>} : memref<32x1024xf32, #tpu.memory_space<vmem>>, vector<1x16xf32>,
          %get3A_102 = vector.shape_cast %get3A_101 : vector<1x16xf32> to vector<16xf32>
          %get3A_103 = arith.index_cast %add3A_87 : i32 to index
          %get3A_104 = arith.constant 64 : index
          %get3A_105 = tpu.vector_load %arg5[%get3A_103, %get3A_104] {strides = array<i32>} : memref<32x1024xf32, #tpu.memory_space<vmem>>, vector<1x16xf32>,
          %get3A_106 = vector.shape_cast %get3A_105 : vector<1x16xf32> to vector<16xf32>
          %get3A_107 = arith.index_cast %add3A_87 : i32 to index
          %get3A_108 = arith.constant 80 : index
          %get3A_109 = tpu.vector_load %arg5[%get3A_107, %get3A_108] {strides = array<i32>} : memref<32x1024xf32, #tpu.memory_space<vmem>>, vector<1x16xf32>,
          %get3A_110 = vector.shape_cast %get3A_109 : vector<1x16xf32> to vector<16xf32>
          %get3A_111 = arith.index_cast %add3A_87 : i32 to index
          %get3A_112 = arith.constant 96 : index
          %get3A_113 = tpu.vector_load %arg5[%get3A_111, %get3A_112] {strides = array<i32>} : memref<32x1024xf32, #tpu.memory_space<vmem>>, vector<1x16xf32>,
          %get3A_114 = vector.shape_cast %get3A_113 : vector<1x16xf32> to vector<16xf32>
          %get3A_115 = arith.index_cast %add3A_87 : i32 to index
          %get3A_116 = arith.constant 112 : index
          %get3A_117 = tpu.vector_load %arg5[%get3A_115, %get3A_116] {strides = array<i32>} : memref<32x1024xf32, #tpu.memory_space<vmem>>, vector<1x16xf32>,
          %get3A_118 = vector.shape_cast %get3A_117 : vector<1x16xf32> to vector<16xf32>
          %broadcast_in_dim3A_119 = arith.constant 0 : i32
          %broadcast_in_dim3A_120 = vector.broadcast %broadcast_in_dim3A_119 : i32 to vector<16xi32>
          %broadcast_in_dim3A_121 = arith.constant 1 : i32
          %broadcast_in_dim3A_122 = vector.broadcast %broadcast_in_dim3A_121 : i32 to vector<16xi32>
          %broadcast_in_dim3A_123 = arith.constant 2 : i32
          %broadcast_in_dim3A_124 = vector.broadcast %broadcast_in_dim3A_123 : i32 to vector<16xi32>
          %broadcast_in_dim3A_125 = arith.constant 3 : i32
          %broadcast_in_dim3A_126 = vector.broadcast %broadcast_in_dim3A_125 : i32 to vector<16xi32>
          %broadcast_in_dim3A_127 = arith.constant 4 : i32
          %broadcast_in_dim3A_128 = vector.broadcast %broadcast_in_dim3A_127 : i32 to vector<16xi32>
          %broadcast_in_dim3A_129 = arith.constant 5 : i32
          %broadcast_in_dim3A_130 = vector.broadcast %broadcast_in_dim3A_129 : i32 to vector<16xi32>
          %broadcast_in_dim3A_131 = arith.constant 6 : i32
          %broadcast_in_dim3A_132 = vector.broadcast %broadcast_in_dim3A_131 : i32 to vector<16xi32>
          %broadcast_in_dim3A_133 = arith.constant 7 : i32
          %broadcast_in_dim3A_134 = vector.broadcast %broadcast_in_dim3A_133 : i32 to vector<16xi32>
          %get3A_135 = arith.index_cast %add3A_87 : i32 to index
          %get3A_136 = arith.constant 128 : index
          %get3A_137 = tpu.vector_load %arg5[%get3A_135, %get3A_136] {strides = array<i32>} : memref<32x1024xf32, #tpu.memory_space<vmem>>, vector<1x16xf32>,
          %get3A_138 = vector.shape_cast %get3A_137 : vector<1x16xf32> to vector<16xf32>
          %gt3A = arith.cmpf ogt, %get3A_138, %get3A_90 : vector<16xf32>
          %select_n3A = arith.select %gt3A, %get3A_138, %get3A_90 : vector<16xi1>, vector<16xf32>
          %broadcast_in_dim3A_139 = arith.constant 8 : i32
          %broadcast_in_dim3A_140 = vector.broadcast %broadcast_in_dim3A_139 : i32 to vector<16xi32>
          %select_n3A_141 = arith.select %gt3A, %broadcast_in_dim3A_140, %broadcast_in_dim3A_120 : vector<16xi1>, vector<16xi32>
          %get3A_142 = arith.index_cast %add3A_87 : i32 to index
          %get3A_143 = arith.constant 144 : index
          %get3A_144 = tpu.vector_load %arg5[%get3A_142, %get3A_143] {strides = array<i32>} : memref<32x1024xf32, #tpu.memory_space<vmem>>, vector<1x16xf32>,
          %get3A_145 = vector.shape_cast %get3A_144 : vector<1x16xf32> to vector<16xf32>
          %gt3A_146 = arith.cmpf ogt, %get3A_145, %get3A_94 : vector<16xf32>
          %select_n3A_147 = arith.select %gt3A_146, %get3A_145, %get3A_94 : vector<16xi1>, vector<16xf32>
          %broadcast_in_dim3A_148 = arith.constant 9 : i32
          %broadcast_in_dim3A_149 = vector.broadcast %broadcast_in_dim3A_148 : i32 to vector<16xi32>
          %select_n3A_150 = arith.select %gt3A_146, %broadcast_in_dim3A_149, %broadcast_in_dim3A_122 : vector<16xi1>, vector<16xi32>
          %get3A_151 = arith.index_cast %add3A_87 : i32 to index
          %get3A_152 = arith.constant 160 : index
          %get3A_153 = tpu.vector_load %arg5[%get3A_151, %get3A_152] {strides = array<i32>} : memref<32x1024xf32, #tpu.memory_space<vmem>>, vector<1x16xf32>,
          %get3A_154 = vector.shape_cast %get3A_153 : vector<1x16xf32> to vector<16xf32>
          %gt3A_155 = arith.cmpf ogt, %get3A_154, %get3A_98 : vector<16xf32>
          %select_n3A_156 = arith.select %gt3A_155, %get3A_154, %get3A_98 : vector<16xi1>, vector<16xf32>
          %broadcast_in_dim3A_157 = arith.constant 10 : i32
          %broadcast_in_dim3A_158 = vector.broadcast %broadcast_in_dim3A_157 : i32 to vector<16xi32>
          %select_n3A_159 = arith.select %gt3A_155, %broadcast_in_dim3A_158, %broadcast_in_dim3A_124 : vector<16xi1>, vector<16xi32>
          %get3A_160 = arith.index_cast %add3A_87 : i32 to index
          %get3A_161 = arith.constant 176 : index
          %get3A_162 = tpu.vector_load %arg5[%get3A_160, %get3A_161] {strides = array<i32>} : memref<32x1024xf32, #tpu.memory_space<vmem>>, vector<1x16xf32>,
          %get3A_163 = vector.shape_cast %get3A_162 : vector<1x16xf32> to vector<16xf32>
          %gt3A_164 = arith.cmpf ogt, %get3A_163, %get3A_102 : vector<16xf32>
          %select_n3A_165 = arith.select %gt3A_164, %get3A_163, %get3A_102 : vector<16xi1>, vector<16xf32>
          %broadcast_in_dim3A_166 = arith.constant 11 : i32
          %broadcast_in_dim3A_167 = vector.broadcast %broadcast_in_dim3A_166 : i32 to vector<16xi32>
          %select_n3A_168 = arith.select %gt3A_164, %broadcast_in_dim3A_167, %broadcast_in_dim3A_126 : vector<16xi1>, vector<16xi32>
          %get3A_169 = arith.index_cast %add3A_87 : i32 to index
          %get3A_170 = arith.constant 192 : index
          %get3A_171 = tpu.vector_load %arg5[%get3A_169, %get3A_170] {strides = array<i32>} : memref<32x1024xf32, #tpu.memory_space<vmem>>, vector<1x16xf32>,
          %get3A_172 = vector.shape_cast %get3A_171 : vector<1x16xf32> to vector<16xf32>
          %gt3A_173 = arith.cmpf ogt, %get3A_172, %get3A_106 : vector<16xf32>
          %select_n3A_174 = arith.select %gt3A_173, %get3A_172, %get3A_106 : vector<16xi1>, vector<16xf32>
          %broadcast_in_dim3A_175 = arith.constant 12 : i32
          %broadcast_in_dim3A_176 = vector.broadcast %broadcast_in_dim3A_175 : i32 to vector<16xi32>
          %select_n3A_177 = arith.select %gt3A_173, %broadcast_in_dim3A_176, %broadcast_in_dim3A_128 : vector<16xi1>, vector<16xi32>
          %get3A_178 = arith.index_cast %add3A_87 : i32 to index
          %get3A_179 = arith.constant 208 : index
          %get3A_180 = tpu.vector_load %arg5[%get3A_178, %get3A_179] {strides = array<i32>} : memref<32x1024xf32, #tpu.memory_space<vmem>>, vector<1x16xf32>,
          %get3A_181 = vector.shape_cast %get3A_180 : vector<1x16xf32> to vector<16xf32>
          %gt3A_182 = arith.cmpf ogt, %get3A_181, %get3A_110 : vector<16xf32>
          %select_n3A_183 = arith.select %gt3A_182, %get3A_181, %get3A_110 : vector<16xi1>, vector<16xf32>
          %broadcast_in_dim3A_184 = arith.constant 13 : i32
          %broadcast_in_dim3A_185 = vector.broadcast %broadcast_in_dim3A_184 : i32 to vector<16xi32>
          %select_n3A_186 = arith.select %gt3A_182, %broadcast_in_dim3A_185, %broadcast_in_dim3A_130 : vector<16xi1>, vector<16xi32>
          %get3A_187 = arith.index_cast %add3A_87 : i32 to index
          %get3A_188 = arith.constant 224 : index
          %get3A_189 = tpu.vector_load %arg5[%get3A_187, %get3A_188] {strides = array<i32>} : memref<32x1024xf32, #tpu.memory_space<vmem>>, vector<1x16xf32>,
          %get3A_190 = vector.shape_cast %get3A_189 : vector<1x16xf32> to vector<16xf32>
          %gt3A_191 = arith.cmpf ogt, %get3A_190, %get3A_114 : vector<16xf32>
          %select_n3A_192 = arith.select %gt3A_191, %get3A_190, %get3A_114 : vector<16xi1>, vector<16xf32>
          %broadcast_in_dim3A_193 = arith.constant 14 : i32
          %broadcast_in_dim3A_194 = vector.broadcast %broadcast_in_dim3A_193 : i32 to vector<16xi32>
          %select_n3A_195 = arith.select %gt3A_191, %broadcast_in_dim3A_194, %broadcast_in_dim3A_132 : vector<16xi1>, vector<16xi32>
          %get3A_196 = arith.index_cast %add3A_87 : i32 to index
          %get3A_197 = arith.constant 240 : index
          %get3A_198 = tpu.vector_load %arg5[%get3A_196, %get3A_197] {strides = array<i32>} : memref<32x1024xf32, #tpu.memory_space<vmem>>, vector<1x16xf32>,
          %get3A_199 = vector.shape_cast %get3A_198 : vector<1x16xf32> to vector<16xf32>
          %gt3A_200 = arith.cmpf ogt, %get3A_199, %get3A_118 : vector<16xf32>
          %select_n3A_201 = arith.select %gt3A_200, %get3A_199, %get3A_118 : vector<16xi1>, vector<16xf32>
          %broadcast_in_dim3A_202 = arith.constant 15 : i32
          %broadcast_in_dim3A_203 = vector.broadcast %broadcast_in_dim3A_202 : i32 to vector<16xi32>
          %select_n3A_204 = arith.select %gt3A_200, %broadcast_in_dim3A_203, %broadcast_in_dim3A_134 : vector<16xi1>, vector<16xi32>
          %get3A_205 = arith.index_cast %add3A_87 : i32 to index
          %get3A_206 = arith.constant 256 : index
          %get3A_207 = tpu.vector_load %arg5[%get3A_205, %get3A_206] {strides = array<i32>} : memref<32x1024xf32, #tpu.memory_space<vmem>>, vector<1x16xf32>,
          %get3A_208 = vector.shape_cast %get3A_207 : vector<1x16xf32> to vector<16xf32>
          %gt3A_209 = arith.cmpf ogt, %get3A_208, %select_n3A : vector<16xf32>
          %select_n3A_210 = arith.select %gt3A_209, %get3A_208, %select_n3A : vector<16xi1>, vector<16xf32>
          %broadcast_in_dim3A_211 = arith.constant 16 : i32
          %broadcast_in_dim3A_212 = vector.broadcast %broadcast_in_dim3A_211 : i32 to vector<16xi32>
          %select_n3A_213 = arith.select %gt3A_209, %broadcast_in_dim3A_212, %select_n3A_141 : vector<16xi1>, vector<16xi32>
          %get3A_214 = arith.index_cast %add3A_87 : i32 to index
          %get3A_215 = arith.constant 272 : index
          %get3A_216 = tpu.vector_load %arg5[%get3A_214, %get3A_215] {strides = array<i32>} : memref<32x1024xf32, #tpu.memory_space<vmem>>, vector<1x16xf32>,
          %get3A_217 = vector.shape_cast %get3A_216 : vector<1x16xf32> to vector<16xf32>
          %gt3A_218 = arith.cmpf ogt, %get3A_217, %select_n3A_147 : vector<16xf32>
          %select_n3A_219 = arith.select %gt3A_218, %get3A_217, %select_n3A_147 : vector<16xi1>, vector<16xf32>
          %broadcast_in_dim3A_220 = arith.constant 17 : i32
          %broadcast_in_dim3A_221 = vector.broadcast %broadcast_in_dim3A_220 : i32 to vector<16xi32>
          %select_n3A_222 = arith.select %gt3A_218, %broadcast_in_dim3A_221, %select_n3A_150 : vector<16xi1>, vector<16xi32>
          %get3A_223 = arith.index_cast %add3A_87 : i32 to index
          %get3A_224 = arith.constant 288 : index
          %get3A_225 = tpu.vector_load %arg5[%get3A_223, %get3A_224] {strides = array<i32>} : memref<32x1024xf32, #tpu.memory_space<vmem>>, vector<1x16xf32>,
          %get3A_226 = vector.shape_cast %get3A_225 : vector<1x16xf32> to vector<16xf32>
          %gt3A_227 = arith.cmpf ogt, %get3A_226, %select_n3A_156 : vector<16xf32>
          %select_n3A_228 = arith.select %gt3A_227, %get3A_226, %select_n3A_156 : vector<16xi1>, vector<16xf32>
          %broadcast_in_dim3A_229 = arith.constant 18 : i32
          %broadcast_in_dim3A_230 = vector.broadcast %broadcast_in_dim3A_229 : i32 to vector<16xi32>
          %select_n3A_231 = arith.select %gt3A_227, %broadcast_in_dim3A_230, %select_n3A_159 : vector<16xi1>, vector<16xi32>
          %get3A_232 = arith.index_cast %add3A_87 : i32 to index
          %get3A_233 = arith.constant 304 : index
          %get3A_234 = tpu.vector_load %arg5[%get3A_232, %get3A_233] {strides = array<i32>} : memref<32x1024xf32, #tpu.memory_space<vmem>>, vector<1x16xf32>,
          %get3A_235 = vector.shape_cast %get3A_234 : vector<1x16xf32> to vector<16xf32>
          %gt3A_236 = arith.cmpf ogt, %get3A_235, %select_n3A_165 : vector<16xf32>
          %select_n3A_237 = arith.select %gt3A_236, %get3A_235, %select_n3A_165 : vector<16xi1>, vector<16xf32>
          %broadcast_in_dim3A_238 = arith.constant 19 : i32
          %broadcast_in_dim3A_239 = vector.broadcast %broadcast_in_dim3A_238 : i32 to vector<16xi32>
          %select_n3A_240 = arith.select %gt3A_236, %broadcast_in_dim3A_239, %select_n3A_168 : vector<16xi1>, vector<16xi32>
          %get3A_241 = arith.index_cast %add3A_87 : i32 to index
          %get3A_242 = arith.constant 320 : index
          %get3A_243 = tpu.vector_load %arg5[%get3A_241, %get3A_242] {strides = array<i32>} : memref<32x1024xf32, #tpu.memory_space<vmem>>, vector<1x16xf32>,
          %get3A_244 = vector.shape_cast %get3A_243 : vector<1x16xf32> to vector<16xf32>
          %gt3A_245 = arith.cmpf ogt, %get3A_244, %select_n3A_174 : vector<16xf32>
          %select_n3A_246 = arith.select %gt3A_245, %get3A_244, %select_n3A_174 : vector<16xi1>, vector<16xf32>
          %broadcast_in_dim3A_247 = arith.constant 20 : i32
          %broadcast_in_dim3A_248 = vector.broadcast %broadcast_in_dim3A_247 : i32 to vector<16xi32>
          %select_n3A_249 = arith.select %gt3A_245, %broadcast_in_dim3A_248, %select_n3A_177 : vector<16xi1>, vector<16xi32>
          %get3A_250 = arith.index_cast %add3A_87 : i32 to index
          %get3A_251 = arith.constant 336 : index
          %get3A_252 = tpu.vector_load %arg5[%get3A_250, %get3A_251] {strides = array<i32>} : memref<32x1024xf32, #tpu.memory_space<vmem>>, vector<1x16xf32>,
          %get3A_253 = vector.shape_cast %get3A_252 : vector<1x16xf32> to vector<16xf32>
          %gt3A_254 = arith.cmpf ogt, %get3A_253, %select_n3A_183 : vector<16xf32>
          %select_n3A_255 = arith.select %gt3A_254, %get3A_253, %select_n3A_183 : vector<16xi1>, vector<16xf32>
          %broadcast_in_dim3A_256 = arith.constant 21 : i32
          %broadcast_in_dim3A_257 = vector.broadcast %broadcast_in_dim3A_256 : i32 to vector<16xi32>
          %select_n3A_258 = arith.select %gt3A_254, %broadcast_in_dim3A_257, %select_n3A_186 : vector<16xi1>, vector<16xi32>
          %get3A_259 = arith.index_cast %add3A_87 : i32 to index
          %get3A_260 = arith.constant 352 : index
          %get3A_261 = tpu.vector_load %arg5[%get3A_259, %get3A_260] {strides = array<i32>} : memref<32x1024xf32, #tpu.memory_space<vmem>>, vector<1x16xf32>,
          %get3A_262 = vector.shape_cast %get3A_261 : vector<1x16xf32> to vector<16xf32>
          %gt3A_263 = arith.cmpf ogt, %get3A_262, %select_n3A_192 : vector<16xf32>
          %select_n3A_264 = arith.select %gt3A_263, %get3A_262, %select_n3A_192 : vector<16xi1>, vector<16xf32>
          %broadcast_in_dim3A_265 = arith.constant 22 : i32
          %broadcast_in_dim3A_266 = vector.broadcast %broadcast_in_dim3A_265 : i32 to vector<16xi32>
          %select_n3A_267 = arith.select %gt3A_263, %broadcast_in_dim3A_266, %select_n3A_195 : vector<16xi1>, vector<16xi32>
          %get3A_268 = arith.index_cast %add3A_87 : i32 to index
          %get3A_269 = arith.constant 368 : index
          %get3A_270 = tpu.vector_load %arg5[%get3A_268, %get3A_269] {strides = array<i32>} : memref<32x1024xf32, #tpu.memory_space<vmem>>, vector<1x16xf32>,
          %get3A_271 = vector.shape_cast %get3A_270 : vector<1x16xf32> to vector<16xf32>
          %gt3A_272 = arith.cmpf ogt, %get3A_271, %select_n3A_201 : vector<16xf32>
          %select_n3A_273 = arith.select %gt3A_272, %get3A_271, %select_n3A_201 : vector<16xi1>, vector<16xf32>
          %broadcast_in_dim3A_274 = arith.constant 23 : i32
          %broadcast_in_dim3A_275 = vector.broadcast %broadcast_in_dim3A_274 : i32 to vector<16xi32>
          %select_n3A_276 = arith.select %gt3A_272, %broadcast_in_dim3A_275, %select_n3A_204 : vector<16xi1>, vector<16xi32>
          %get3A_277 = arith.index_cast %add3A_87 : i32 to index
          %get3A_278 = arith.constant 384 : index
          %get3A_279 = tpu.vector_load %arg5[%get3A_277, %get3A_278] {strides = array<i32>} : memref<32x1024xf32, #tpu.memory_space<vmem>>, vector<1x16xf32>,
          %get3A_280 = vector.shape_cast %get3A_279 : vector<1x16xf32> to vector<16xf32>
          %gt3A_281 = arith.cmpf ogt, %get3A_280, %select_n3A_210 : vector<16xf32>
          %select_n3A_282 = arith.select %gt3A_281, %get3A_280, %select_n3A_210 : vector<16xi1>, vector<16xf32>
          %broadcast_in_dim3A_283 = arith.constant 24 : i32
          %broadcast_in_dim3A_284 = vector.broadcast %broadcast_in_dim3A_283 : i32 to vector<16xi32>
          %select_n3A_285 = arith.select %gt3A_281, %broadcast_in_dim3A_284, %select_n3A_213 : vector<16xi1>, vector<16xi32>
          %get3A_286 = arith.index_cast %add3A_87 : i32 to index
          %get3A_287 = arith.constant 400 : index
          %get3A_288 = tpu.vector_load %arg5[%get3A_286, %get3A_287] {strides = array<i32>} : memref<32x1024xf32, #tpu.memory_space<vmem>>, vector<1x16xf32>,
          %get3A_289 = vector.shape_cast %get3A_288 : vector<1x16xf32> to vector<16xf32>
          %gt3A_290 = arith.cmpf ogt, %get3A_289, %select_n3A_219 : vector<16xf32>
          %select_n3A_291 = arith.select %gt3A_290, %get3A_289, %select_n3A_219 : vector<16xi1>, vector<16xf32>
          %broadcast_in_dim3A_292 = arith.constant 25 : i32
          %broadcast_in_dim3A_293 = vector.broadcast %broadcast_in_dim3A_292 : i32 to vector<16xi32>
          %select_n3A_294 = arith.select %gt3A_290, %broadcast_in_dim3A_293, %select_n3A_222 : vector<16xi1>, vector<16xi32>
          %get3A_295 = arith.index_cast %add3A_87 : i32 to index
          %get3A_296 = arith.constant 416 : index
          %get3A_297 = tpu.vector_load %arg5[%get3A_295, %get3A_296] {strides = array<i32>} : memref<32x1024xf32, #tpu.memory_space<vmem>>, vector<1x16xf32>,
          %get3A_298 = vector.shape_cast %get3A_297 : vector<1x16xf32> to vector<16xf32>
          %gt3A_299 = arith.cmpf ogt, %get3A_298, %select_n3A_228 : vector<16xf32>
          %select_n3A_300 = arith.select %gt3A_299, %get3A_298, %select_n3A_228 : vector<16xi1>, vector<16xf32>
          %broadcast_in_dim3A_301 = arith.constant 26 : i32
          %broadcast_in_dim3A_302 = vector.broadcast %broadcast_in_dim3A_301 : i32 to vector<16xi32>
          %select_n3A_303 = arith.select %gt3A_299, %broadcast_in_dim3A_302, %select_n3A_231 : vector<16xi1>, vector<16xi32>
          %get3A_304 = arith.index_cast %add3A_87 : i32 to index
          %get3A_305 = arith.constant 432 : index
          %get3A_306 = tpu.vector_load %arg5[%get3A_304, %get3A_305] {strides = array<i32>} : memref<32x1024xf32, #tpu.memory_space<vmem>>, vector<1x16xf32>,
          %get3A_307 = vector.shape_cast %get3A_306 : vector<1x16xf32> to vector<16xf32>
          %gt3A_308 = arith.cmpf ogt, %get3A_307, %select_n3A_237 : vector<16xf32>
          %select_n3A_309 = arith.select %gt3A_308, %get3A_307, %select_n3A_237 : vector<16xi1>, vector<16xf32>
          %broadcast_in_dim3A_310 = arith.constant 27 : i32
          %broadcast_in_dim3A_311 = vector.broadcast %broadcast_in_dim3A_310 : i32 to vector<16xi32>
          %select_n3A_312 = arith.select %gt3A_308, %broadcast_in_dim3A_311, %select_n3A_240 : vector<16xi1>, vector<16xi32>
          %get3A_313 = arith.index_cast %add3A_87 : i32 to index
          %get3A_314 = arith.constant 448 : index
          %get3A_315 = tpu.vector_load %arg5[%get3A_313, %get3A_314] {strides = array<i32>} : memref<32x1024xf32, #tpu.memory_space<vmem>>, vector<1x16xf32>,
          %get3A_316 = vector.shape_cast %get3A_315 : vector<1x16xf32> to vector<16xf32>
          %gt3A_317 = arith.cmpf ogt, %get3A_316, %select_n3A_246 : vector<16xf32>
          %select_n3A_318 = arith.select %gt3A_317, %get3A_316, %select_n3A_246 : vector<16xi1>, vector<16xf32>
          %broadcast_in_dim3A_319 = arith.constant 28 : i32
          %broadcast_in_dim3A_320 = vector.broadcast %broadcast_in_dim3A_319 : i32 to vector<16xi32>
          %select_n3A_321 = arith.select %gt3A_317, %broadcast_in_dim3A_320, %select_n3A_249 : vector<16xi1>, vector<16xi32>
          %get3A_322 = arith.index_cast %add3A_87 : i32 to index
          %get3A_323 = arith.constant 464 : index
          %get3A_324 = tpu.vector_load %arg5[%get3A_322, %get3A_323] {strides = array<i32>} : memref<32x1024xf32, #tpu.memory_space<vmem>>, vector<1x16xf32>,
          %get3A_325 = vector.shape_cast %get3A_324 : vector<1x16xf32> to vector<16xf32>
          %gt3A_326 = arith.cmpf ogt, %get3A_325, %select_n3A_255 : vector<16xf32>
          %select_n3A_327 = arith.select %gt3A_326, %get3A_325, %select_n3A_255 : vector<16xi1>, vector<16xf32>
          %broadcast_in_dim3A_328 = arith.constant 29 : i32
          %broadcast_in_dim3A_329 = vector.broadcast %broadcast_in_dim3A_328 : i32 to vector<16xi32>
          %select_n3A_330 = arith.select %gt3A_326, %broadcast_in_dim3A_329, %select_n3A_258 : vector<16xi1>, vector<16xi32>
          %get3A_331 = arith.index_cast %add3A_87 : i32 to index
          %get3A_332 = arith.constant 480 : index
          %get3A_333 = tpu.vector_load %arg5[%get3A_331, %get3A_332] {strides = array<i32>} : memref<32x1024xf32, #tpu.memory_space<vmem>>, vector<1x16xf32>,
          %get3A_334 = vector.shape_cast %get3A_333 : vector<1x16xf32> to vector<16xf32>
          %gt3A_335 = arith.cmpf ogt, %get3A_334, %select_n3A_264 : vector<16xf32>
          %select_n3A_336 = arith.select %gt3A_335, %get3A_334, %select_n3A_264 : vector<16xi1>, vector<16xf32>
          %broadcast_in_dim3A_337 = arith.constant 30 : i32
          %broadcast_in_dim3A_338 = vector.broadcast %broadcast_in_dim3A_337 : i32 to vector<16xi32>
          %select_n3A_339 = arith.select %gt3A_335, %broadcast_in_dim3A_338, %select_n3A_267 : vector<16xi1>, vector<16xi32>
          %get3A_340 = arith.index_cast %add3A_87 : i32 to index
          %get3A_341 = arith.constant 496 : index
          %get3A_342 = tpu.vector_load %arg5[%get3A_340, %get3A_341] {strides = array<i32>} : memref<32x1024xf32, #tpu.memory_space<vmem>>, vector<1x16xf32>,
          %get3A_343 = vector.shape_cast %get3A_342 : vector<1x16xf32> to vector<16xf32>
          %gt3A_344 = arith.cmpf ogt, %get3A_343, %select_n3A_273 : vector<16xf32>
          %select_n3A_345 = arith.select %gt3A_344, %get3A_343, %select_n3A_273 : vector<16xi1>, vector<16xf32>
          %broadcast_in_dim3A_346 = arith.constant 31 : i32
          %broadcast_in_dim3A_347 = vector.broadcast %broadcast_in_dim3A_346 : i32 to vector<16xi32>
          %select_n3A_348 = arith.select %gt3A_344, %broadcast_in_dim3A_347, %select_n3A_276 : vector<16xi1>, vector<16xi32>
          %get3A_349 = arith.index_cast %add3A_87 : i32 to index
          %get3A_350 = arith.constant 512 : index
          %get3A_351 = tpu.vector_load %arg5[%get3A_349, %get3A_350] {strides = array<i32>} : memref<32x1024xf32, #tpu.memory_space<vmem>>, vector<1x16xf32>,
          %get3A_352 = vector.shape_cast %get3A_351 : vector<1x16xf32> to vector<16xf32>
          %gt3A_353 = arith.cmpf ogt, %get3A_352, %select_n3A_282 : vector<16xf32>
          %select_n3A_354 = arith.select %gt3A_353, %get3A_352, %select_n3A_282 : vector<16xi1>, vector<16xf32>
          %broadcast_in_dim3A_355 = arith.constant 32 : i32
          %broadcast_in_dim3A_356 = vector.broadcast %broadcast_in_dim3A_355 : i32 to vector<16xi32>
          %select_n3A_357 = arith.select %gt3A_353, %broadcast_in_dim3A_356, %select_n3A_285 : vector<16xi1>, vector<16xi32>
          %get3A_358 = arith.index_cast %add3A_87 : i32 to index
          %get3A_359 = arith.constant 528 : index
          %get3A_360 = tpu.vector_load %arg5[%get3A_358, %get3A_359] {strides = array<i32>} : memref<32x1024xf32, #tpu.memory_space<vmem>>, vector<1x16xf32>,
          %get3A_361 = vector.shape_cast %get3A_360 : vector<1x16xf32> to vector<16xf32>
          %gt3A_362 = arith.cmpf ogt, %get3A_361, %select_n3A_291 : vector<16xf32>
          %select_n3A_363 = arith.select %gt3A_362, %get3A_361, %select_n3A_291 : vector<16xi1>, vector<16xf32>
          %broadcast_in_dim3A_364 = arith.constant 33 : i32
          %broadcast_in_dim3A_365 = vector.broadcast %broadcast_in_dim3A_364 : i32 to vector<16xi32>
          %select_n3A_366 = arith.select %gt3A_362, %broadcast_in_dim3A_365, %select_n3A_294 : vector<16xi1>, vector<16xi32>
          %get3A_367 = arith.index_cast %add3A_87 : i32 to index
          %get3A_368 = arith.constant 544 : index
          %get3A_369 = tpu.vector_load %arg5[%get3A_367, %get3A_368] {strides = array<i32>} : memref<32x1024xf32, #tpu.memory_space<vmem>>, vector<1x16xf32>,
          %get3A_370 = vector.shape_cast %get3A_369 : vector<1x16xf32> to vector<16xf32>
          %gt3A_371 = arith.cmpf ogt, %get3A_370, %select_n3A_300 : vector<16xf32>
          %select_n3A_372 = arith.select %gt3A_371, %get3A_370, %select_n3A_300 : vector<16xi1>, vector<16xf32>
          %broadcast_in_dim3A_373 = arith.constant 34 : i32
          %broadcast_in_dim3A_374 = vector.broadcast %broadcast_in_dim3A_373 : i32 to vector<16xi32>
          %select_n3A_375 = arith.select %gt3A_371, %broadcast_in_dim3A_374, %select_n3A_303 : vector<16xi1>, vector<16xi32>
          %get3A_376 = arith.index_cast %add3A_87 : i32 to index
          %get3A_377 = arith.constant 560 : index
          %get3A_378 = tpu.vector_load %arg5[%get3A_376, %get3A_377] {strides = array<i32>} : memref<32x1024xf32, #tpu.memory_space<vmem>>, vector<1x16xf32>,
          %get3A_379 = vector.shape_cast %get3A_378 : vector<1x16xf32> to vector<16xf32>
          %gt3A_380 = arith.cmpf ogt, %get3A_379, %select_n3A_309 : vector<16xf32>
          %select_n3A_381 = arith.select %gt3A_380, %get3A_379, %select_n3A_309 : vector<16xi1>, vector<16xf32>
          %broadcast_in_dim3A_382 = arith.constant 35 : i32
          %broadcast_in_dim3A_383 = vector.broadcast %broadcast_in_dim3A_382 : i32 to vector<16xi32>
          %select_n3A_384 = arith.select %gt3A_380, %broadcast_in_dim3A_383, %select_n3A_312 : vector<16xi1>, vector<16xi32>
          %get3A_385 = arith.index_cast %add3A_87 : i32 to index
          %get3A_386 = arith.constant 576 : index
          %get3A_387 = tpu.vector_load %arg5[%get3A_385, %get3A_386] {strides = array<i32>} : memref<32x1024xf32, #tpu.memory_space<vmem>>, vector<1x16xf32>,
          %get3A_388 = vector.shape_cast %get3A_387 : vector<1x16xf32> to vector<16xf32>
          %gt3A_389 = arith.cmpf ogt, %get3A_388, %select_n3A_318 : vector<16xf32>
          %select_n3A_390 = arith.select %gt3A_389, %get3A_388, %select_n3A_318 : vector<16xi1>, vector<16xf32>
          %broadcast_in_dim3A_391 = arith.constant 36 : i32
          %broadcast_in_dim3A_392 = vector.broadcast %broadcast_in_dim3A_391 : i32 to vector<16xi32>
          %select_n3A_393 = arith.select %gt3A_389, %broadcast_in_dim3A_392, %select_n3A_321 : vector<16xi1>, vector<16xi32>
          %get3A_394 = arith.index_cast %add3A_87 : i32 to index
          %get3A_395 = arith.constant 592 : index
          %get3A_396 = tpu.vector_load %arg5[%get3A_394, %get3A_395] {strides = array<i32>} : memref<32x1024xf32, #tpu.memory_space<vmem>>, vector<1x16xf32>,
          %get3A_397 = vector.shape_cast %get3A_396 : vector<1x16xf32> to vector<16xf32>
          %gt3A_398 = arith.cmpf ogt, %get3A_397, %select_n3A_327 : vector<16xf32>
          %select_n3A_399 = arith.select %gt3A_398, %get3A_397, %select_n3A_327 : vector<16xi1>, vector<16xf32>
          %broadcast_in_dim3A_400 = arith.constant 37 : i32
          %broadcast_in_dim3A_401 = vector.broadcast %broadcast_in_dim3A_400 : i32 to vector<16xi32>
          %select_n3A_402 = arith.select %gt3A_398, %broadcast_in_dim3A_401, %select_n3A_330 : vector<16xi1>, vector<16xi32>
          %get3A_403 = arith.index_cast %add3A_87 : i32 to index
          %get3A_404 = arith.constant 608 : index
          %get3A_405 = tpu.vector_load %arg5[%get3A_403, %get3A_404] {strides = array<i32>} : memref<32x1024xf32, #tpu.memory_space<vmem>>, vector<1x16xf32>,
          %get3A_406 = vector.shape_cast %get3A_405 : vector<1x16xf32> to vector<16xf32>
          %gt3A_407 = arith.cmpf ogt, %get3A_406, %select_n3A_336 : vector<16xf32>
          %select_n3A_408 = arith.select %gt3A_407, %get3A_406, %select_n3A_336 : vector<16xi1>, vector<16xf32>
          %broadcast_in_dim3A_409 = arith.constant 38 : i32
          %broadcast_in_dim3A_410 = vector.broadcast %broadcast_in_dim3A_409 : i32 to vector<16xi32>
          %select_n3A_411 = arith.select %gt3A_407, %broadcast_in_dim3A_410, %select_n3A_339 : vector<16xi1>, vector<16xi32>
          %get3A_412 = arith.index_cast %add3A_87 : i32 to index
          %get3A_413 = arith.constant 624 : index
          %get3A_414 = tpu.vector_load %arg5[%get3A_412, %get3A_413] {strides = array<i32>} : memref<32x1024xf32, #tpu.memory_space<vmem>>, vector<1x16xf32>,
          %get3A_415 = vector.shape_cast %get3A_414 : vector<1x16xf32> to vector<16xf32>
          %gt3A_416 = arith.cmpf ogt, %get3A_415, %select_n3A_345 : vector<16xf32>
          %select_n3A_417 = arith.select %gt3A_416, %get3A_415, %select_n3A_345 : vector<16xi1>, vector<16xf32>
          %broadcast_in_dim3A_418 = arith.constant 39 : i32
          %broadcast_in_dim3A_419 = vector.broadcast %broadcast_in_dim3A_418 : i32 to vector<16xi32>
          %select_n3A_420 = arith.select %gt3A_416, %broadcast_in_dim3A_419, %select_n3A_348 : vector<16xi1>, vector<16xi32>
          %get3A_421 = arith.index_cast %add3A_87 : i32 to index
          %get3A_422 = arith.constant 640 : index
          %get3A_423 = tpu.vector_load %arg5[%get3A_421, %get3A_422] {strides = array<i32>} : memref<32x1024xf32, #tpu.memory_space<vmem>>, vector<1x16xf32>,
          %get3A_424 = vector.shape_cast %get3A_423 : vector<1x16xf32> to vector<16xf32>
          %gt3A_425 = arith.cmpf ogt, %get3A_424, %select_n3A_354 : vector<16xf32>
          %select_n3A_426 = arith.select %gt3A_425, %get3A_424, %select_n3A_354 : vector<16xi1>, vector<16xf32>
          %broadcast_in_dim3A_427 = arith.constant 40 : i32
          %broadcast_in_dim3A_428 = vector.broadcast %broadcast_in_dim3A_427 : i32 to vector<16xi32>
          %select_n3A_429 = arith.select %gt3A_425, %broadcast_in_dim3A_428, %select_n3A_357 : vector<16xi1>, vector<16xi32>
          %get3A_430 = arith.index_cast %add3A_87 : i32 to index
          %get3A_431 = arith.constant 656 : index
          %get3A_432 = tpu.vector_load %arg5[%get3A_430, %get3A_431] {strides = array<i32>} : memref<32x1024xf32, #tpu.memory_space<vmem>>, vector<1x16xf32>,
          %get3A_433 = vector.shape_cast %get3A_432 : vector<1x16xf32> to vector<16xf32>
          %gt3A_434 = arith.cmpf ogt, %get3A_433, %select_n3A_363 : vector<16xf32>
          %select_n3A_435 = arith.select %gt3A_434, %get3A_433, %select_n3A_363 : vector<16xi1>, vector<16xf32>
          %broadcast_in_dim3A_436 = arith.constant 41 : i32
          %broadcast_in_dim3A_437 = vector.broadcast %broadcast_in_dim3A_436 : i32 to vector<16xi32>
          %select_n3A_438 = arith.select %gt3A_434, %broadcast_in_dim3A_437, %select_n3A_366 : vector<16xi1>, vector<16xi32>
          %get3A_439 = arith.index_cast %add3A_87 : i32 to index
          %get3A_440 = arith.constant 672 : index
          %get3A_441 = tpu.vector_load %arg5[%get3A_439, %get3A_440] {strides = array<i32>} : memref<32x1024xf32, #tpu.memory_space<vmem>>, vector<1x16xf32>,
          %get3A_442 = vector.shape_cast %get3A_441 : vector<1x16xf32> to vector<16xf32>
          %gt3A_443 = arith.cmpf ogt, %get3A_442, %select_n3A_372 : vector<16xf32>
          %select_n3A_444 = arith.select %gt3A_443, %get3A_442, %select_n3A_372 : vector<16xi1>, vector<16xf32>
          %broadcast_in_dim3A_445 = arith.constant 42 : i32
          %broadcast_in_dim3A_446 = vector.broadcast %broadcast_in_dim3A_445 : i32 to vector<16xi32>
          %select_n3A_447 = arith.select %gt3A_443, %broadcast_in_dim3A_446, %select_n3A_375 : vector<16xi1>, vector<16xi32>
          %get3A_448 = arith.index_cast %add3A_87 : i32 to index
          %get3A_449 = arith.constant 688 : index
          %get3A_450 = tpu.vector_load %arg5[%get3A_448, %get3A_449] {strides = array<i32>} : memref<32x1024xf32, #tpu.memory_space<vmem>>, vector<1x16xf32>,
          %get3A_451 = vector.shape_cast %get3A_450 : vector<1x16xf32> to vector<16xf32>
          %gt3A_452 = arith.cmpf ogt, %get3A_451, %select_n3A_381 : vector<16xf32>
          %select_n3A_453 = arith.select %gt3A_452, %get3A_451, %select_n3A_381 : vector<16xi1>, vector<16xf32>
          %broadcast_in_dim3A_454 = arith.constant 43 : i32
          %broadcast_in_dim3A_455 = vector.broadcast %broadcast_in_dim3A_454 : i32 to vector<16xi32>
          %select_n3A_456 = arith.select %gt3A_452, %broadcast_in_dim3A_455, %select_n3A_384 : vector<16xi1>, vector<16xi32>
          %get3A_457 = arith.index_cast %add3A_87 : i32 to index
          %get3A_458 = arith.constant 704 : index
          %get3A_459 = tpu.vector_load %arg5[%get3A_457, %get3A_458] {strides = array<i32>} : memref<32x1024xf32, #tpu.memory_space<vmem>>, vector<1x16xf32>,
          %get3A_460 = vector.shape_cast %get3A_459 : vector<1x16xf32> to vector<16xf32>
          %gt3A_461 = arith.cmpf ogt, %get3A_460, %select_n3A_390 : vector<16xf32>
          %select_n3A_462 = arith.select %gt3A_461, %get3A_460, %select_n3A_390 : vector<16xi1>, vector<16xf32>
          %broadcast_in_dim3A_463 = arith.constant 44 : i32
          %broadcast_in_dim3A_464 = vector.broadcast %broadcast_in_dim3A_463 : i32 to vector<16xi32>
          %select_n3A_465 = arith.select %gt3A_461, %broadcast_in_dim3A_464, %select_n3A_393 : vector<16xi1>, vector<16xi32>
          %get3A_466 = arith.index_cast %add3A_87 : i32 to index
          %get3A_467 = arith.constant 720 : index
          %get3A_468 = tpu.vector_load %arg5[%get3A_466, %get3A_467] {strides = array<i32>} : memref<32x1024xf32, #tpu.memory_space<vmem>>, vector<1x16xf32>,
          %get3A_469 = vector.shape_cast %get3A_468 : vector<1x16xf32> to vector<16xf32>
          %gt3A_470 = arith.cmpf ogt, %get3A_469, %select_n3A_399 : vector<16xf32>
          %select_n3A_471 = arith.select %gt3A_470, %get3A_469, %select_n3A_399 : vector<16xi1>, vector<16xf32>
          %broadcast_in_dim3A_472 = arith.constant 45 : i32
          %broadcast_in_dim3A_473 = vector.broadcast %broadcast_in_dim3A_472 : i32 to vector<16xi32>
          %select_n3A_474 = arith.select %gt3A_470, %broadcast_in_dim3A_473, %select_n3A_402 : vector<16xi1>, vector<16xi32>
          %get3A_475 = arith.index_cast %add3A_87 : i32 to index
          %get3A_476 = arith.constant 736 : index
          %get3A_477 = tpu.vector_load %arg5[%get3A_475, %get3A_476] {strides = array<i32>} : memref<32x1024xf32, #tpu.memory_space<vmem>>, vector<1x16xf32>,
          %get3A_478 = vector.shape_cast %get3A_477 : vector<1x16xf32> to vector<16xf32>
          %gt3A_479 = arith.cmpf ogt, %get3A_478, %select_n3A_408 : vector<16xf32>
          %select_n3A_480 = arith.select %gt3A_479, %get3A_478, %select_n3A_408 : vector<16xi1>, vector<16xf32>
          %broadcast_in_dim3A_481 = arith.constant 46 : i32
          %broadcast_in_dim3A_482 = vector.broadcast %broadcast_in_dim3A_481 : i32 to vector<16xi32>
          %select_n3A_483 = arith.select %gt3A_479, %broadcast_in_dim3A_482, %select_n3A_411 : vector<16xi1>, vector<16xi32>
          %get3A_484 = arith.index_cast %add3A_87 : i32 to index
          %get3A_485 = arith.constant 752 : index
          %get3A_486 = tpu.vector_load %arg5[%get3A_484, %get3A_485] {strides = array<i32>} : memref<32x1024xf32, #tpu.memory_space<vmem>>, vector<1x16xf32>,
          %get3A_487 = vector.shape_cast %get3A_486 : vector<1x16xf32> to vector<16xf32>
          %gt3A_488 = arith.cmpf ogt, %get3A_487, %select_n3A_417 : vector<16xf32>
          %select_n3A_489 = arith.select %gt3A_488, %get3A_487, %select_n3A_417 : vector<16xi1>, vector<16xf32>
          %broadcast_in_dim3A_490 = arith.constant 47 : i32
          %broadcast_in_dim3A_491 = vector.broadcast %broadcast_in_dim3A_490 : i32 to vector<16xi32>
          %select_n3A_492 = arith.select %gt3A_488, %broadcast_in_dim3A_491, %select_n3A_420 : vector<16xi1>, vector<16xi32>
          %get3A_493 = arith.index_cast %add3A_87 : i32 to index
          %get3A_494 = arith.constant 768 : index
          %get3A_495 = tpu.vector_load %arg5[%get3A_493, %get3A_494] {strides = array<i32>} : memref<32x1024xf32, #tpu.memory_space<vmem>>, vector<1x16xf32>,
          %get3A_496 = vector.shape_cast %get3A_495 : vector<1x16xf32> to vector<16xf32>
          %gt3A_497 = arith.cmpf ogt, %get3A_496, %select_n3A_426 : vector<16xf32>
          %select_n3A_498 = arith.select %gt3A_497, %get3A_496, %select_n3A_426 : vector<16xi1>, vector<16xf32>
          %broadcast_in_dim3A_499 = arith.constant 48 : i32
          %broadcast_in_dim3A_500 = vector.broadcast %broadcast_in_dim3A_499 : i32 to vector<16xi32>
          %select_n3A_501 = arith.select %gt3A_497, %broadcast_in_dim3A_500, %select_n3A_429 : vector<16xi1>, vector<16xi32>
          %get3A_502 = arith.index_cast %add3A_87 : i32 to index
          %get3A_503 = arith.constant 784 : index
          %get3A_504 = tpu.vector_load %arg5[%get3A_502, %get3A_503] {strides = array<i32>} : memref<32x1024xf32, #tpu.memory_space<vmem>>, vector<1x16xf32>,
          %get3A_505 = vector.shape_cast %get3A_504 : vector<1x16xf32> to vector<16xf32>
          %gt3A_506 = arith.cmpf ogt, %get3A_505, %select_n3A_435 : vector<16xf32>
          %select_n3A_507 = arith.select %gt3A_506, %get3A_505, %select_n3A_435 : vector<16xi1>, vector<16xf32>
          %broadcast_in_dim3A_508 = arith.constant 49 : i32
          %broadcast_in_dim3A_509 = vector.broadcast %broadcast_in_dim3A_508 : i32 to vector<16xi32>
          %select_n3A_510 = arith.select %gt3A_506, %broadcast_in_dim3A_509, %select_n3A_438 : vector<16xi1>, vector<16xi32>
          %get3A_511 = arith.index_cast %add3A_87 : i32 to index
          %get3A_512 = arith.constant 800 : index
          %get3A_513 = tpu.vector_load %arg5[%get3A_511, %get3A_512] {strides = array<i32>} : memref<32x1024xf32, #tpu.memory_space<vmem>>, vector<1x16xf32>,
          %get3A_514 = vector.shape_cast %get3A_513 : vector<1x16xf32> to vector<16xf32>
          %gt3A_515 = arith.cmpf ogt, %get3A_514, %select_n3A_444 : vector<16xf32>
          %select_n3A_516 = arith.select %gt3A_515, %get3A_514, %select_n3A_444 : vector<16xi1>, vector<16xf32>
          %broadcast_in_dim3A_517 = arith.constant 50 : i32
          %broadcast_in_dim3A_518 = vector.broadcast %broadcast_in_dim3A_517 : i32 to vector<16xi32>
          %select_n3A_519 = arith.select %gt3A_515, %broadcast_in_dim3A_518, %select_n3A_447 : vector<16xi1>, vector<16xi32>
          %get3A_520 = arith.index_cast %add3A_87 : i32 to index
          %get3A_521 = arith.constant 816 : index
          %get3A_522 = tpu.vector_load %arg5[%get3A_520, %get3A_521] {strides = array<i32>} : memref<32x1024xf32, #tpu.memory_space<vmem>>, vector<1x16xf32>,
          %get3A_523 = vector.shape_cast %get3A_522 : vector<1x16xf32> to vector<16xf32>
          %gt3A_524 = arith.cmpf ogt, %get3A_523, %select_n3A_453 : vector<16xf32>
          %select_n3A_525 = arith.select %gt3A_524, %get3A_523, %select_n3A_453 : vector<16xi1>, vector<16xf32>
          %broadcast_in_dim3A_526 = arith.constant 51 : i32
          %broadcast_in_dim3A_527 = vector.broadcast %broadcast_in_dim3A_526 : i32 to vector<16xi32>
          %select_n3A_528 = arith.select %gt3A_524, %broadcast_in_dim3A_527, %select_n3A_456 : vector<16xi1>, vector<16xi32>
          %get3A_529 = arith.index_cast %add3A_87 : i32 to index
          %get3A_530 = arith.constant 832 : index
          %get3A_531 = tpu.vector_load %arg5[%get3A_529, %get3A_530] {strides = array<i32>} : memref<32x1024xf32, #tpu.memory_space<vmem>>, vector<1x16xf32>,
          %get3A_532 = vector.shape_cast %get3A_531 : vector<1x16xf32> to vector<16xf32>
          %gt3A_533 = arith.cmpf ogt, %get3A_532, %select_n3A_462 : vector<16xf32>
          %select_n3A_534 = arith.select %gt3A_533, %get3A_532, %select_n3A_462 : vector<16xi1>, vector<16xf32>
          %broadcast_in_dim3A_535 = arith.constant 52 : i32
          %broadcast_in_dim3A_536 = vector.broadcast %broadcast_in_dim3A_535 : i32 to vector<16xi32>
          %select_n3A_537 = arith.select %gt3A_533, %broadcast_in_dim3A_536, %select_n3A_465 : vector<16xi1>, vector<16xi32>
          %get3A_538 = arith.index_cast %add3A_87 : i32 to index
          %get3A_539 = arith.constant 848 : index
          %get3A_540 = tpu.vector_load %arg5[%get3A_538, %get3A_539] {strides = array<i32>} : memref<32x1024xf32, #tpu.memory_space<vmem>>, vector<1x16xf32>,
          %get3A_541 = vector.shape_cast %get3A_540 : vector<1x16xf32> to vector<16xf32>
          %gt3A_542 = arith.cmpf ogt, %get3A_541, %select_n3A_471 : vector<16xf32>
          %select_n3A_543 = arith.select %gt3A_542, %get3A_541, %select_n3A_471 : vector<16xi1>, vector<16xf32>
          %broadcast_in_dim3A_544 = arith.constant 53 : i32
          %broadcast_in_dim3A_545 = vector.broadcast %broadcast_in_dim3A_544 : i32 to vector<16xi32>
          %select_n3A_546 = arith.select %gt3A_542, %broadcast_in_dim3A_545, %select_n3A_474 : vector<16xi1>, vector<16xi32>
          %get3A_547 = arith.index_cast %add3A_87 : i32 to index
          %get3A_548 = arith.constant 864 : index
          %get3A_549 = tpu.vector_load %arg5[%get3A_547, %get3A_548] {strides = array<i32>} : memref<32x1024xf32, #tpu.memory_space<vmem>>, vector<1x16xf32>,
          %get3A_550 = vector.shape_cast %get3A_549 : vector<1x16xf32> to vector<16xf32>
          %gt3A_551 = arith.cmpf ogt, %get3A_550, %select_n3A_480 : vector<16xf32>
          %select_n3A_552 = arith.select %gt3A_551, %get3A_550, %select_n3A_480 : vector<16xi1>, vector<16xf32>
          %broadcast_in_dim3A_553 = arith.constant 54 : i32
          %broadcast_in_dim3A_554 = vector.broadcast %broadcast_in_dim3A_553 : i32 to vector<16xi32>
          %select_n3A_555 = arith.select %gt3A_551, %broadcast_in_dim3A_554, %select_n3A_483 : vector<16xi1>, vector<16xi32>
          %get3A_556 = arith.index_cast %add3A_87 : i32 to index
          %get3A_557 = arith.constant 880 : index
          %get3A_558 = tpu.vector_load %arg5[%get3A_556, %get3A_557] {strides = array<i32>} : memref<32x1024xf32, #tpu.memory_space<vmem>>, vector<1x16xf32>,
          %get3A_559 = vector.shape_cast %get3A_558 : vector<1x16xf32> to vector<16xf32>
          %gt3A_560 = arith.cmpf ogt, %get3A_559, %select_n3A_489 : vector<16xf32>
          %select_n3A_561 = arith.select %gt3A_560, %get3A_559, %select_n3A_489 : vector<16xi1>, vector<16xf32>
          %broadcast_in_dim3A_562 = arith.constant 55 : i32
          %broadcast_in_dim3A_563 = vector.broadcast %broadcast_in_dim3A_562 : i32 to vector<16xi32>
          %select_n3A_564 = arith.select %gt3A_560, %broadcast_in_dim3A_563, %select_n3A_492 : vector<16xi1>, vector<16xi32>
          %get3A_565 = arith.index_cast %add3A_87 : i32 to index
          %get3A_566 = arith.constant 896 : index
          %get3A_567 = tpu.vector_load %arg5[%get3A_565, %get3A_566] {strides = array<i32>} : memref<32x1024xf32, #tpu.memory_space<vmem>>, vector<1x16xf32>,
          %get3A_568 = vector.shape_cast %get3A_567 : vector<1x16xf32> to vector<16xf32>
          %gt3A_569 = arith.cmpf ogt, %get3A_568, %select_n3A_498 : vector<16xf32>
          %select_n3A_570 = arith.select %gt3A_569, %get3A_568, %select_n3A_498 : vector<16xi1>, vector<16xf32>
          %broadcast_in_dim3A_571 = arith.constant 56 : i32
          %broadcast_in_dim3A_572 = vector.broadcast %broadcast_in_dim3A_571 : i32 to vector<16xi32>
          %select_n3A_573 = arith.select %gt3A_569, %broadcast_in_dim3A_572, %select_n3A_501 : vector<16xi1>, vector<16xi32>
          %get3A_574 = arith.index_cast %add3A_87 : i32 to index
          %get3A_575 = arith.constant 912 : index
          %get3A_576 = tpu.vector_load %arg5[%get3A_574, %get3A_575] {strides = array<i32>} : memref<32x1024xf32, #tpu.memory_space<vmem>>, vector<1x16xf32>,
          %get3A_577 = vector.shape_cast %get3A_576 : vector<1x16xf32> to vector<16xf32>
          %gt3A_578 = arith.cmpf ogt, %get3A_577, %select_n3A_507 : vector<16xf32>
          %select_n3A_579 = arith.select %gt3A_578, %get3A_577, %select_n3A_507 : vector<16xi1>, vector<16xf32>
          %broadcast_in_dim3A_580 = arith.constant 57 : i32
          %broadcast_in_dim3A_581 = vector.broadcast %broadcast_in_dim3A_580 : i32 to vector<16xi32>
          %select_n3A_582 = arith.select %gt3A_578, %broadcast_in_dim3A_581, %select_n3A_510 : vector<16xi1>, vector<16xi32>
          %get3A_583 = arith.index_cast %add3A_87 : i32 to index
          %get3A_584 = arith.constant 928 : index
          %get3A_585 = tpu.vector_load %arg5[%get3A_583, %get3A_584] {strides = array<i32>} : memref<32x1024xf32, #tpu.memory_space<vmem>>, vector<1x16xf32>,
          %get3A_586 = vector.shape_cast %get3A_585 : vector<1x16xf32> to vector<16xf32>
          %gt3A_587 = arith.cmpf ogt, %get3A_586, %select_n3A_516 : vector<16xf32>
          %select_n3A_588 = arith.select %gt3A_587, %get3A_586, %select_n3A_516 : vector<16xi1>, vector<16xf32>
          %broadcast_in_dim3A_589 = arith.constant 58 : i32
          %broadcast_in_dim3A_590 = vector.broadcast %broadcast_in_dim3A_589 : i32 to vector<16xi32>
          %select_n3A_591 = arith.select %gt3A_587, %broadcast_in_dim3A_590, %select_n3A_519 : vector<16xi1>, vector<16xi32>
          %get3A_592 = arith.index_cast %add3A_87 : i32 to index
          %get3A_593 = arith.constant 944 : index
          %get3A_594 = tpu.vector_load %arg5[%get3A_592, %get3A_593] {strides = array<i32>} : memref<32x1024xf32, #tpu.memory_space<vmem>>, vector<1x16xf32>,
          %get3A_595 = vector.shape_cast %get3A_594 : vector<1x16xf32> to vector<16xf32>
          %gt3A_596 = arith.cmpf ogt, %get3A_595, %select_n3A_525 : vector<16xf32>
          %select_n3A_597 = arith.select %gt3A_596, %get3A_595, %select_n3A_525 : vector<16xi1>, vector<16xf32>
          %broadcast_in_dim3A_598 = arith.constant 59 : i32
          %broadcast_in_dim3A_599 = vector.broadcast %broadcast_in_dim3A_598 : i32 to vector<16xi32>
          %select_n3A_600 = arith.select %gt3A_596, %broadcast_in_dim3A_599, %select_n3A_528 : vector<16xi1>, vector<16xi32>
          %get3A_601 = arith.index_cast %add3A_87 : i32 to index
          %get3A_602 = arith.constant 960 : index
          %get3A_603 = tpu.vector_load %arg5[%get3A_601, %get3A_602] {strides = array<i32>} : memref<32x1024xf32, #tpu.memory_space<vmem>>, vector<1x16xf32>,
          %get3A_604 = vector.shape_cast %get3A_603 : vector<1x16xf32> to vector<16xf32>
          %gt3A_605 = arith.cmpf ogt, %get3A_604, %select_n3A_534 : vector<16xf32>
          %select_n3A_606 = arith.select %gt3A_605, %get3A_604, %select_n3A_534 : vector<16xi1>, vector<16xf32>
          %broadcast_in_dim3A_607 = arith.constant 60 : i32
          %broadcast_in_dim3A_608 = vector.broadcast %broadcast_in_dim3A_607 : i32 to vector<16xi32>
          %select_n3A_609 = arith.select %gt3A_605, %broadcast_in_dim3A_608, %select_n3A_537 : vector<16xi1>, vector<16xi32>
          %get3A_610 = arith.index_cast %add3A_87 : i32 to index
          %get3A_611 = arith.constant 976 : index
          %get3A_612 = tpu.vector_load %arg5[%get3A_610, %get3A_611] {strides = array<i32>} : memref<32x1024xf32, #tpu.memory_space<vmem>>, vector<1x16xf32>,
          %get3A_613 = vector.shape_cast %get3A_612 : vector<1x16xf32> to vector<16xf32>
          %gt3A_614 = arith.cmpf ogt, %get3A_613, %select_n3A_543 : vector<16xf32>
          %select_n3A_615 = arith.select %gt3A_614, %get3A_613, %select_n3A_543 : vector<16xi1>, vector<16xf32>
          %broadcast_in_dim3A_616 = arith.constant 61 : i32
          %broadcast_in_dim3A_617 = vector.broadcast %broadcast_in_dim3A_616 : i32 to vector<16xi32>
          %select_n3A_618 = arith.select %gt3A_614, %broadcast_in_dim3A_617, %select_n3A_546 : vector<16xi1>, vector<16xi32>
          %get3A_619 = arith.index_cast %add3A_87 : i32 to index
          %get3A_620 = arith.constant 992 : index
          %get3A_621 = tpu.vector_load %arg5[%get3A_619, %get3A_620] {strides = array<i32>} : memref<32x1024xf32, #tpu.memory_space<vmem>>, vector<1x16xf32>,
          %get3A_622 = vector.shape_cast %get3A_621 : vector<1x16xf32> to vector<16xf32>
          %gt3A_623 = arith.cmpf ogt, %get3A_622, %select_n3A_552 : vector<16xf32>
          %select_n3A_624 = arith.select %gt3A_623, %get3A_622, %select_n3A_552 : vector<16xi1>, vector<16xf32>
          %broadcast_in_dim3A_625 = arith.constant 62 : i32
          %broadcast_in_dim3A_626 = vector.broadcast %broadcast_in_dim3A_625 : i32 to vector<16xi32>
          %select_n3A_627 = arith.select %gt3A_623, %broadcast_in_dim3A_626, %select_n3A_555 : vector<16xi1>, vector<16xi32>
          %get3A_628 = arith.index_cast %add3A_87 : i32 to index
          %get3A_629 = arith.constant 1008 : index
          %get3A_630 = tpu.vector_load %arg5[%get3A_628, %get3A_629] {strides = array<i32>} : memref<32x1024xf32, #tpu.memory_space<vmem>>, vector<1x16xf32>,
          %get3A_631 = vector.shape_cast %get3A_630 : vector<1x16xf32> to vector<16xf32>
          %gt3A_632 = arith.cmpf ogt, %get3A_631, %select_n3A_561 : vector<16xf32>
          %select_n3A_633 = arith.select %gt3A_632, %get3A_631, %select_n3A_561 : vector<16xi1>, vector<16xf32>
          %broadcast_in_dim3A_634 = arith.constant 63 : i32
          %broadcast_in_dim3A_635 = vector.broadcast %broadcast_in_dim3A_634 : i32 to vector<16xi32>
          %select_n3A_636 = arith.select %gt3A_632, %broadcast_in_dim3A_635, %select_n3A_564 : vector<16xi1>, vector<16xi32>
          %gt3A_637 = arith.cmpf ogt, %select_n3A_579, %select_n3A_570 : vector<16xf32>
          %eq3A = arith.cmpf oeq, %select_n3A_579, %select_n3A_570 : vector<16xf32>
          %lt3A_638 = arith.cmpi slt, %select_n3A_582, %select_n3A_573 : vector<16xi32>
          %and3A = arith.andi %eq3A, %lt3A_638 : vector<16xi1>
          %or3A = arith.ori %gt3A_637, %and3A : vector<16xi1>
          %select_n3A_639 = arith.select %or3A, %select_n3A_579, %select_n3A_570 : vector<16xi1>, vector<16xf32>
          %select_n3A_640 = arith.select %or3A, %select_n3A_582, %select_n3A_573 : vector<16xi1>, vector<16xi32>
          %gt3A_641 = arith.cmpf ogt, %select_n3A_597, %select_n3A_588 : vector<16xf32>
          %eq3A_642 = arith.cmpf oeq, %select_n3A_597, %select_n3A_588 : vector<16xf32>
          %lt3A_643 = arith.cmpi slt, %select_n3A_600, %select_n3A_591 : vector<16xi32>
          %and3A_644 = arith.andi %eq3A_642, %lt3A_643 : vector<16xi1>
          %or3A_645 = arith.ori %gt3A_641, %and3A_644 : vector<16xi1>
          %select_n3A_646 = arith.select %or3A_645, %select_n3A_597, %select_n3A_588 : vector<16xi1>, vector<16xf32>
          %select_n3A_647 = arith.select %or3A_645, %select_n3A_600, %select_n3A_591 : vector<16xi1>, vector<16xi32>
          %gt3A_648 = arith.cmpf ogt, %select_n3A_615, %select_n3A_606 : vector<16xf32>
          %eq3A_649 = arith.cmpf oeq, %select_n3A_615, %select_n3A_606 : vector<16xf32>
          %lt3A_650 = arith.cmpi slt, %select_n3A_618, %select_n3A_609 : vector<16xi32>
          %and3A_651 = arith.andi %eq3A_649, %lt3A_650 : vector<16xi1>
          %or3A_652 = arith.ori %gt3A_648, %and3A_651 : vector<16xi1>
          %select_n3A_653 = arith.select %or3A_652, %select_n3A_615, %select_n3A_606 : vector<16xi1>, vector<16xf32>
          %select_n3A_654 = arith.select %or3A_652, %select_n3A_618, %select_n3A_609 : vector<16xi1>, vector<16xi32>
          %gt3A_655 = arith.cmpf ogt, %select_n3A_633, %select_n3A_624 : vector<16xf32>
          %eq3A_656 = arith.cmpf oeq, %select_n3A_633, %select_n3A_624 : vector<16xf32>
          %lt3A_657 = arith.cmpi slt, %select_n3A_636, %select_n3A_627 : vector<16xi32>
          %and3A_658 = arith.andi %eq3A_656, %lt3A_657 : vector<16xi1>
          %or3A_659 = arith.ori %gt3A_655, %and3A_658 : vector<16xi1>
          %select_n3A_660 = arith.select %or3A_659, %select_n3A_633, %select_n3A_624 : vector<16xi1>, vector<16xf32>
          %select_n3A_661 = arith.select %or3A_659, %select_n3A_636, %select_n3A_627 : vector<16xi1>, vector<16xi32>
          %gt3A_662 = arith.cmpf ogt, %select_n3A_646, %select_n3A_639 : vector<16xf32>
          %eq3A_663 = arith.cmpf oeq, %select_n3A_646, %select_n3A_639 : vector<16xf32>
          %lt3A_664 = arith.cmpi slt, %select_n3A_647, %select_n3A_640 : vector<16xi32>
          %and3A_665 = arith.andi %eq3A_663, %lt3A_664 : vector<16xi1>
          %or3A_666 = arith.ori %gt3A_662, %and3A_665 : vector<16xi1>
          %select_n3A_667 = arith.select %or3A_666, %select_n3A_646, %select_n3A_639 : vector<16xi1>, vector<16xf32>
          %select_n3A_668 = arith.select %or3A_666, %select_n3A_647, %select_n3A_640 : vector<16xi1>, vector<16xi32>
          %gt3A_669 = arith.cmpf ogt, %select_n3A_660, %select_n3A_653 : vector<16xf32>
          %eq3A_670 = arith.cmpf oeq, %select_n3A_660, %select_n3A_653 : vector<16xf32>
          %lt3A_671 = arith.cmpi slt, %select_n3A_661, %select_n3A_654 : vector<16xi32>
          %and3A_672 = arith.andi %eq3A_670, %lt3A_671 : vector<16xi1>
          %or3A_673 = arith.ori %gt3A_669, %and3A_672 : vector<16xi1>
          %select_n3A_674 = arith.select %or3A_673, %select_n3A_660, %select_n3A_653 : vector<16xi1>, vector<16xf32>
          %select_n3A_675 = arith.select %or3A_673, %select_n3A_661, %select_n3A_654 : vector<16xi1>, vector<16xi32>
          %gt3A_676 = arith.cmpf ogt, %select_n3A_674, %select_n3A_667 : vector<16xf32>
          %eq3A_677 = arith.cmpf oeq, %select_n3A_674, %select_n3A_667 : vector<16xf32>
          %lt3A_678 = arith.cmpi slt, %select_n3A_675, %select_n3A_668 : vector<16xi32>
          %and3A_679 = arith.andi %eq3A_677, %lt3A_678 : vector<16xi1>
          %or3A_680 = arith.ori %gt3A_676, %and3A_679 : vector<16xi1>
          %select_n3A_681 = arith.select %or3A_680, %select_n3A_674, %select_n3A_667 : vector<16xi1>, vector<16xf32>
          %select_n3A_682 = arith.select %or3A_680, %select_n3A_675, %select_n3A_668 : vector<16xi1>, vector<16xi32>
          %add3A_683 = arith.constant 1 : i32
          %add3A_684 = vector.broadcast %add3A_683 : i32 to vector<16xi32>
          %add3A_685 = arith.addi %iota3A, %add3A_684 : vector<16xi32>
          %and3A_686 = arith.constant 15 : i32
          %and3A_687 = vector.broadcast %and3A_686 : i32 to vector<16xi32>
          %and3A_688 = arith.andi %add3A_685, %and3A_687 : vector<16xi32>
          %broadcast_in_dim3A_689 = vector.shape_cast %and3A_688 : vector<16xi32> to vector<16x1xi32>
          %gather3A = vector.shape_cast %broadcast_in_dim3A_689 : vector<16x1xi32> to vector<16xi32>
          %gather3A_690 = tpu.dynamic_gather %select_n3A_681[%gather3A] in [0] : vector<16xf32>, vector<16xi32> -> vector<16xf32>
          %max3A = arith.maximumf %select_n3A_681, %gather3A_690 : vector<16xf32>
          %add3A_691 = arith.constant 2 : i32
          %add3A_692 = vector.broadcast %add3A_691 : i32 to vector<16xi32>
          %add3A_693 = arith.addi %iota3A, %add3A_692 : vector<16xi32>
          %and3A_694 = arith.constant 15 : i32
          %and3A_695 = vector.broadcast %and3A_694 : i32 to vector<16xi32>
          %and3A_696 = arith.andi %add3A_693, %and3A_695 : vector<16xi32>
          %broadcast_in_dim3A_697 = vector.shape_cast %and3A_696 : vector<16xi32> to vector<16x1xi32>
          %gather3A_698 = vector.shape_cast %broadcast_in_dim3A_697 : vector<16x1xi32> to vector<16xi32>
          %gather3A_699 = tpu.dynamic_gather %max3A[%gather3A_698] in [0] : vector<16xf32>, vector<16xi32> -> vector<16xf32>
          %max3A_700 = arith.maximumf %max3A, %gather3A_699 : vector<16xf32>
          %add3A_701 = arith.constant 4 : i32
          %add3A_702 = vector.broadcast %add3A_701 : i32 to vector<16xi32>
          %add3A_703 = arith.addi %iota3A, %add3A_702 : vector<16xi32>
          %and3A_704 = arith.constant 15 : i32
          %and3A_705 = vector.broadcast %and3A_704 : i32 to vector<16xi32>
          %and3A_706 = arith.andi %add3A_703, %and3A_705 : vector<16xi32>
          %broadcast_in_dim3A_707 = vector.shape_cast %and3A_706 : vector<16xi32> to vector<16x1xi32>
          %gather3A_708 = vector.shape_cast %broadcast_in_dim3A_707 : vector<16x1xi32> to vector<16xi32>
          %gather3A_709 = tpu.dynamic_gather %max3A_700[%gather3A_708] in [0] : vector<16xf32>, vector<16xi32> -> vector<16xf32>
          %max3A_710 = arith.maximumf %max3A_700, %gather3A_709 : vector<16xf32>
          %add3A_711 = arith.constant 8 : i32
          %add3A_712 = vector.broadcast %add3A_711 : i32 to vector<16xi32>
          %add3A_713 = arith.addi %iota3A, %add3A_712 : vector<16xi32>
          %and3A_714 = arith.constant 15 : i32
          %and3A_715 = vector.broadcast %and3A_714 : i32 to vector<16xi32>
          %and3A_716 = arith.andi %add3A_713, %and3A_715 : vector<16xi32>
          %broadcast_in_dim3A_717 = vector.shape_cast %and3A_716 : vector<16xi32> to vector<16x1xi32>
          %gather3A_718 = vector.shape_cast %broadcast_in_dim3A_717 : vector<16x1xi32> to vector<16xi32>
          %gather3A_719 = tpu.dynamic_gather %max3A_710[%gather3A_718] in [0] : vector<16xf32>, vector<16xi32> -> vector<16xf32>
          %max3A_720 = arith.maximumf %max3A_710, %gather3A_719 : vector<16xf32>
          %mul3A_721 = arith.constant 16 : i32
          %mul3A_722 = vector.broadcast %mul3A_721 : i32 to vector<16xi32>
          %mul3A_723 = arith.muli %select_n3A_682, %mul3A_722 : vector<16xi32>
          %add3A_724 = arith.addi %mul3A_723, %iota3A : vector<16xi32>
          %eq3A_725 = arith.cmpf oeq, %select_n3A_681, %max3A_720 : vector<16xf32>
          %select_n3A_726 = arith.select %eq3A_725, %add3A_724, %broadcast_in_dim3A_3 : vector<16xi1>, vector<16xi32>
          %add3A_727 = arith.constant 1 : i32
          %add3A_728 = vector.broadcast %add3A_727 : i32 to vector<16xi32>
          %add3A_729 = arith.addi %iota3A, %add3A_728 : vector<16xi32>
          %and3A_730 = arith.constant 15 : i32
          %and3A_731 = vector.broadcast %and3A_730 : i32 to vector<16xi32>
          %and3A_732 = arith.andi %add3A_729, %and3A_731 : vector<16xi32>
          %broadcast_in_dim3A_733 = vector.shape_cast %and3A_732 : vector<16xi32> to vector<16x1xi32>
          %gather3A_734 = vector.shape_cast %broadcast_in_dim3A_733 : vector<16x1xi32> to vector<16xi32>
          %gather3A_735 = tpu.dynamic_gather %select_n3A_726[%gather3A_734] in [0] : vector<16xi32>, vector<16xi32> -> vector<16xi32>
          %min3A = arith.minsi %select_n3A_726, %gather3A_735 : vector<16xi32>
          %add3A_736 = arith.constant 2 : i32
          %add3A_737 = vector.broadcast %add3A_736 : i32 to vector<16xi32>
          %add3A_738 = arith.addi %iota3A, %add3A_737 : vector<16xi32>
          %and3A_739 = arith.constant 15 : i32
          %and3A_740 = vector.broadcast %and3A_739 : i32 to vector<16xi32>
          %and3A_741 = arith.andi %add3A_738, %and3A_740 : vector<16xi32>
          %broadcast_in_dim3A_742 = vector.shape_cast %and3A_741 : vector<16xi32> to vector<16x1xi32>
          %gather3A_743 = vector.shape_cast %broadcast_in_dim3A_742 : vector<16x1xi32> to vector<16xi32>
          %gather3A_744 = tpu.dynamic_gather %min3A[%gather3A_743] in [0] : vector<16xi32>, vector<16xi32> -> vector<16xi32>
          %min3A_745 = arith.minsi %min3A, %gather3A_744 : vector<16xi32>
          %add3A_746 = arith.constant 4 : i32
          %add3A_747 = vector.broadcast %add3A_746 : i32 to vector<16xi32>
          %add3A_748 = arith.addi %iota3A, %add3A_747 : vector<16xi32>
          %and3A_749 = arith.constant 15 : i32
          %and3A_750 = vector.broadcast %and3A_749 : i32 to vector<16xi32>
          %and3A_751 = arith.andi %add3A_748, %and3A_750 : vector<16xi32>
          %broadcast_in_dim3A_752 = vector.shape_cast %and3A_751 : vector<16xi32> to vector<16x1xi32>
          %gather3A_753 = vector.shape_cast %broadcast_in_dim3A_752 : vector<16x1xi32> to vector<16xi32>
          %gather3A_754 = tpu.dynamic_gather %min3A_745[%gather3A_753] in [0] : vector<16xi32>, vector<16xi32> -> vector<16xi32>
          %min3A_755 = arith.minsi %min3A_745, %gather3A_754 : vector<16xi32>
          %add3A_756 = arith.constant 8 : i32
          %add3A_757 = vector.broadcast %add3A_756 : i32 to vector<16xi32>
          %add3A_758 = arith.addi %iota3A, %add3A_757 : vector<16xi32>
          %and3A_759 = arith.constant 15 : i32
          %and3A_760 = vector.broadcast %and3A_759 : i32 to vector<16xi32>
          %and3A_761 = arith.andi %add3A_758, %and3A_760 : vector<16xi32>
          %broadcast_in_dim3A_762 = vector.shape_cast %and3A_761 : vector<16xi32> to vector<16x1xi32>
          %gather3A_763 = vector.shape_cast %broadcast_in_dim3A_762 : vector<16x1xi32> to vector<16xi32>
          %gather3A_764 = tpu.dynamic_gather %min3A_755[%gather3A_763] in [0] : vector<16xi32>, vector<16xi32> -> vector<16xi32>
          %min3A_765 = arith.minsi %min3A_755, %gather3A_764 : vector<16xi32>
          %eq3A_766 = vector.broadcast %scan3A_83 : i32 to vector<16xi32>
          %eq3A_767 = arith.cmpi eq, %iota3A, %eq3A_766 : vector<16xi32>
          %select_n3A_768 = arith.select %eq3A_767, %min3A_765, %scan3A_84 : vector<16xi1>, vector<16xi32>
          scf.yield %select_n3A_768 : vector<16xi32>
        }
        %scan3A_73 = arith.constant 16 : i32
        %mul3A_74 = arith.constant 32 : i32
        %mul3A_75 = arith.muli %add3A_55, %mul3A_74 : i32
        %mul3A_76 = arith.constant 16 : i32
        %mul3A_77 = arith.muli %scan3A_64, %mul3A_76 : i32
        %add3A_78 = arith.addi %mul3A_75, %mul3A_77 : i32
        %swap3A = arith.index_cast %add3A_78 : i32 to index
        %swap3A_79 = tpu.vector_load %arg6[%swap3A] {strides = array<i32>} : memref<128xi32, #tpu.memory_space<vmem>>, vector<16xi32>,
        %swap3A_80 = vector.shape_cast %swap3A_79 : vector<16xi32> to vector<16xi32>
        %swap3A_81 = vector.shape_cast %scan3A_72 : vector<16xi32> to vector<16xi32>
        tpu.vector_store %arg6[%swap3A], %swap3A_81 {strides = array<i32>} : memref<128xi32, #tpu.memory_space<vmem>>, vector<16xi32>,
        %scan3A_82 = arith.constant 0 : i32
        scf.yield %scan3A_82 : i32
      }
      %scan3A_62 = arith.constant 2 : i32
      %scan3A_63 = arith.constant 0 : i32
      scf.yield %scan3A_63 : i32
    }
    %scan3A_14 = arith.constant 2 : i32
    "tpu.region"() ({
      %run_scoped3A = tpu.sem_alloc : memref<!tpu.dma_semaphore, #tpu.memory_space<semaphore_mem>>
      %dma_start3A_15 = tpu.memref_slice %arg3[%mul3A_2] : memref<4096xi32, #tpu.memory_space<hbm>> -> memref<128xi32, #tpu.memory_space<hbm>>
      %dma_start3A_16 = tpu.memref_slice %arg3[%mul3A_2] : memref<4096xi32, #tpu.memory_space<hbm>> -> memref<128xi32, #tpu.memory_space<hbm>>
      tpu.enqueue_dma source(%arg6 : memref<128xi32, #tpu.memory_space<vmem>>) target(%dma_start3A_16 : memref<128xi32, #tpu.memory_space<hbm>>) target_semaphore(%run_scoped3A : memref<!tpu.dma_semaphore, #tpu.memory_space<semaphore_mem>>)
      %dma_wait3A = tpu.memref_slice %arg3[%mul3A_2] : memref<4096xi32, #tpu.memory_space<hbm>> -> memref<128xi32, #tpu.memory_space<hbm>>
      %dma_wait3A_17 = tpu.memref_slice %arg3[%mul3A_2] : memref<4096xi32, #tpu.memory_space<hbm>> -> memref<128xi32, #tpu.memory_space<hbm>>
      tpu.wait_dma2 semaphore(%run_scoped3A : memref<!tpu.dma_semaphore, #tpu.memory_space<semaphore_mem>>) src(%arg6 : memref<128xi32, #tpu.memory_space<vmem>>) dst(%dma_wait3A_17 : memref<128xi32, #tpu.memory_space<hbm>>)
      tpu.yield
    }) : () -> ()
    return
  }
}

module attributes {stable_mosaic.version = 14 : i64} {
  func.func @_tc_argmax_body(%arg0: i32, %arg1: memref<2048x1024xf32, #tpu.memory_space<vmem>>, %arg2: memref<1x1x2048xi32, #tpu.memory_space<vmem>>) attributes {dimension_semantics = [#tpu.dimension_semantics<parallel>], iteration_bounds = array<i64: 6>, scalar_prefetch = 0 : i64, scratch_operands = 0 : i64, tpu.core_type = #tpu.core_type<tc>, window_params = [{transform_indices = @transform_0, window_bounds = array<i64: 2048, 1024>}, {transform_indices = @transform_1, window_bounds = array<i64: 1, 1, 2048>}]} {
    %get3A = arith.constant 0 : index
    %get3A_0 = arith.constant 0 : index
    %get3A_1 = vector.load %arg1[%get3A, %get3A_0] : memref<2048x1024xf32, #tpu.memory_space<vmem>>, vector<2048x1024xf32>
    %slice3A = vector.extract_strided_slice %get3A_1 {offsets = [0, 0], sizes = [2048, 128], strides = [1, 1]} : vector<2048x1024xf32> to vector<2048x128xf32>
    %slice3A_2 = vector.extract_strided_slice %get3A_1 {offsets = [0, 128], sizes = [2048, 128], strides = [1, 1]} : vector<2048x1024xf32> to vector<2048x128xf32>
    %slice3A_3 = vector.extract_strided_slice %get3A_1 {offsets = [0, 256], sizes = [2048, 128], strides = [1, 1]} : vector<2048x1024xf32> to vector<2048x128xf32>
    %slice3A_4 = vector.extract_strided_slice %get3A_1 {offsets = [0, 384], sizes = [2048, 128], strides = [1, 1]} : vector<2048x1024xf32> to vector<2048x128xf32>
    %slice3A_5 = vector.extract_strided_slice %get3A_1 {offsets = [0, 512], sizes = [2048, 128], strides = [1, 1]} : vector<2048x1024xf32> to vector<2048x128xf32>
    %slice3A_6 = vector.extract_strided_slice %get3A_1 {offsets = [0, 640], sizes = [2048, 128], strides = [1, 1]} : vector<2048x1024xf32> to vector<2048x128xf32>
    %slice3A_7 = vector.extract_strided_slice %get3A_1 {offsets = [0, 768], sizes = [2048, 128], strides = [1, 1]} : vector<2048x1024xf32> to vector<2048x128xf32>
    %slice3A_8 = vector.extract_strided_slice %get3A_1 {offsets = [0, 896], sizes = [2048, 128], strides = [1, 1]} : vector<2048x1024xf32> to vector<2048x128xf32>
    %max3A = arith.maximumf %slice3A, %slice3A_2 : vector<2048x128xf32>
    %max3A_9 = arith.maximumf %max3A, %slice3A_3 : vector<2048x128xf32>
    %max3A_10 = arith.maximumf %max3A_9, %slice3A_4 : vector<2048x128xf32>
    %max3A_11 = arith.maximumf %max3A_10, %slice3A_5 : vector<2048x128xf32>
    %max3A_12 = arith.maximumf %max3A_11, %slice3A_6 : vector<2048x128xf32>
    %max3A_13 = arith.maximumf %max3A_12, %slice3A_7 : vector<2048x128xf32>
    %max3A_14 = arith.maximumf %max3A_13, %slice3A_8 : vector<2048x128xf32>
    %broadcast_in_dim3A = arith.constant 8 : i32
    %broadcast_in_dim3A_15 = vector.broadcast %broadcast_in_dim3A : i32 to vector<2048x128xi32>
    %eq3A = arith.cmpf oeq, %slice3A_8, %max3A_14 : vector<2048x128xf32>
    %jit3A = arith.constant 7 : i32
    %broadcast_in_dim3A_16 = vector.broadcast %jit3A : i32 to vector<2048x128xi32>
    %select_n3A = arith.select %eq3A, %broadcast_in_dim3A_16, %broadcast_in_dim3A_15 : vector<2048x128xi1>, vector<2048x128xi32>
    %eq3A_17 = arith.cmpf oeq, %slice3A_7, %max3A_14 : vector<2048x128xf32>
    %jit3A_18 = arith.constant 6 : i32
    %broadcast_in_dim3A_19 = vector.broadcast %jit3A_18 : i32 to vector<2048x128xi32>
    %select_n3A_20 = arith.select %eq3A_17, %broadcast_in_dim3A_19, %select_n3A : vector<2048x128xi1>, vector<2048x128xi32>
    %eq3A_21 = arith.cmpf oeq, %slice3A_6, %max3A_14 : vector<2048x128xf32>
    %jit3A_22 = arith.constant 5 : i32
    %broadcast_in_dim3A_23 = vector.broadcast %jit3A_22 : i32 to vector<2048x128xi32>
    %select_n3A_24 = arith.select %eq3A_21, %broadcast_in_dim3A_23, %select_n3A_20 : vector<2048x128xi1>, vector<2048x128xi32>
    %eq3A_25 = arith.cmpf oeq, %slice3A_5, %max3A_14 : vector<2048x128xf32>
    %jit3A_26 = arith.constant 4 : i32
    %broadcast_in_dim3A_27 = vector.broadcast %jit3A_26 : i32 to vector<2048x128xi32>
    %select_n3A_28 = arith.select %eq3A_25, %broadcast_in_dim3A_27, %select_n3A_24 : vector<2048x128xi1>, vector<2048x128xi32>
    %eq3A_29 = arith.cmpf oeq, %slice3A_4, %max3A_14 : vector<2048x128xf32>
    %jit3A_30 = arith.constant 3 : i32
    %broadcast_in_dim3A_31 = vector.broadcast %jit3A_30 : i32 to vector<2048x128xi32>
    %select_n3A_32 = arith.select %eq3A_29, %broadcast_in_dim3A_31, %select_n3A_28 : vector<2048x128xi1>, vector<2048x128xi32>
    %eq3A_33 = arith.cmpf oeq, %slice3A_3, %max3A_14 : vector<2048x128xf32>
    %jit3A_34 = arith.constant 2 : i32
    %broadcast_in_dim3A_35 = vector.broadcast %jit3A_34 : i32 to vector<2048x128xi32>
    %select_n3A_36 = arith.select %eq3A_33, %broadcast_in_dim3A_35, %select_n3A_32 : vector<2048x128xi1>, vector<2048x128xi32>
    %eq3A_37 = arith.cmpf oeq, %slice3A_2, %max3A_14 : vector<2048x128xf32>
    %jit3A_38 = arith.constant 1 : i32
    %broadcast_in_dim3A_39 = vector.broadcast %jit3A_38 : i32 to vector<2048x128xi32>
    %select_n3A_40 = arith.select %eq3A_37, %broadcast_in_dim3A_39, %select_n3A_36 : vector<2048x128xi1>, vector<2048x128xi32>
    %eq3A_41 = arith.cmpf oeq, %slice3A, %max3A_14 : vector<2048x128xf32>
    %jit3A_42 = arith.constant 0 : i32
    %broadcast_in_dim3A_43 = vector.broadcast %jit3A_42 : i32 to vector<2048x128xi32>
    %select_n3A_44 = arith.select %eq3A_41, %broadcast_in_dim3A_43, %select_n3A_40 : vector<2048x128xi1>, vector<2048x128xi32>
    %reduce_max3A = arith.constant dense<0xFF800000> : vector<2048xf32>
    %reduce_max3A_45 = vector.multi_reduction <maximumf>, %max3A_14, %reduce_max3A [1] : vector<2048x128xf32> to vector<2048xf32>
    %broadcast_in_dim3A_46 = vector.shape_cast %reduce_max3A_45 : vector<2048xf32> to vector<2048x1xf32>
    %iota3A = tpu.iota {dimensions = array<i32: 1>} : vector<2048x128xi32>
    %shift_left3A = arith.constant 7 : i32
    %shift_left3A_47 = vector.broadcast %shift_left3A : i32 to vector<2048x128xi32>
    %shift_left3A_48 = arith.shli %select_n3A_44, %shift_left3A_47 : vector<2048x128xi32>
    %or3A = arith.ori %shift_left3A_48, %iota3A : vector<2048x128xi32>
    %eq3A_49 = vector.broadcast %broadcast_in_dim3A_46 : vector<2048x1xf32> to vector<2048x128xf32>
    %eq3A_50 = arith.cmpf oeq, %max3A_14, %eq3A_49 : vector<2048x128xf32>
    %jit3A_51 = arith.constant 1073741824 : i32
    %broadcast_in_dim3A_52 = vector.broadcast %jit3A_51 : i32 to vector<2048x128xi32>
    %select_n3A_53 = arith.select %eq3A_50, %or3A, %broadcast_in_dim3A_52 : vector<2048x128xi1>, vector<2048x128xi32>
    %reduce_min3A = arith.constant dense<2147483647> : vector<2048xi32>
    %reduce_min3A_54 = vector.multi_reduction <minsi>, %select_n3A_53, %reduce_min3A [1] : vector<2048x128xi32> to vector<2048xi32>
    %swap3A = arith.constant 0 : index
    %swap3A_55 = arith.constant 0 : index
    %swap3A_56 = arith.constant 0 : index
    %swap3A_57 = vector.load %arg2[%swap3A, %swap3A_55, %swap3A_56] : memref<1x1x2048xi32, #tpu.memory_space<vmem>>, vector<1x1x2048xi32>
    %swap3A_58 = vector.shape_cast %swap3A_57 : vector<1x1x2048xi32> to vector<2048xi32>
    %swap3A_59 = vector.shape_cast %reduce_min3A_54 : vector<2048xi32> to vector<1x1x2048xi32>
    tpu.vector_store %arg2[%swap3A, %swap3A_55, %swap3A_56], %swap3A_59 {strides = array<i32>} : memref<1x1x2048xi32, #tpu.memory_space<vmem>>, vector<1x1x2048xi32>,
    return
  }
  func.func @transform_0(%arg0: i32) -> (i32, i32) {
    %add3A = arith.constant 2 : i32
    %add3A_0 = arith.addi %add3A, %arg0 : i32
    %c0_i32 = arith.constant 0 : i32
    %c0_i32_1 = arith.constant 0 : i32
    return %add3A_0, %c0_i32 : i32, i32
  }
  func.func @transform_1(%arg0: i32) -> (i32, i32, i32) {
    %c0_i32 = arith.constant 0 : i32
    %c0_i32_0 = arith.constant 0 : i32
    %c0_i32_1 = arith.constant 0 : i32
    return %arg0, %c0_i32, %c0_i32_0 : i32, i32, i32
  }
}

</mosaic_0001>

<sc_bundles>
// kernel: _argmax_rows.4.cloned.1.call-start
scs
__scs_entry_jumppad:
0x0: {  	(pc) =	sbr.rel $0x88, $3  }
0x1: {  	(tag) =	ssettag $0x0;
	lr =	simm.s32 $0x1  }
0x2: {  	[smem:$0x3FA0] =	sst lr;
	_ =	strace $0xD0000000  }
0x3: {  	_ = 	snop  }
0x4: {  	_ = 	snop  }
0x5: {  	_ = 	snop  }
0x6: {  	_ = 	snop  }
0x7: {  	_ = 	snop  }
__scs_overlays_trampoline_lowered:
0x8: {  	[smem:$0x3FAF] =	sst s0  }
0x9: {  	[smem:$0x3FB0] =	sst s1  }
0xa: {  	[smem:$0x3FB1] =	sst s2  }
0xb: {  	[smem:$0x3FB2] =	sst s3  }
0xc: {  	[smem:$0x3FB3] =	sst s4  }
0xd: {  	[smem:$0x3FB4] =	sst s5  }
0xe: {  	[smem:$0x3FB5] =	sst s6  }
0xf: {  	[smem:$0x3FB6] =	sst s7  }
0x10: {  	[smem:$0x3FB7] =	sst s8  }
0x11: {  	[smem:$0x3FB8] =	sst s9;
	s0 =	simm.s32 @!p0 $0x0  }
0x12: {  	s1 =	sld [smem:$0x3F9E];
	s0 =	simm.s32 @p0 $0x1  }
0x13: {  	[smem:$0x3FB9] =	sst s0;
	s0 =	simm.s32 @!p1 $0x0  }
0x14: {  	s2 =	sld [smem:$0x3F9D];
	s0 =	simm.s32 @p1 $0x1  }
0x15: {  	[smem:$0x3FBA] =	sst s0;
	s0 =	simm.s32 @!p2 $0x0  }
0x16: {  	s3 =	sld [smem:$0x3FDB];
	s0 =	simm.s32 @p2 $0x1  }
0x17: {  	s4 =	simm.s32 $0x1BF5;
	[smem:$0x3FBC] =	sst s0  }
0x18: {  	s0 =	sld [smem:$0x3F9F];
	_ =	swait.ge [sflag:s4], $0x0  }
0x19: {  	s7 =	sld [smem:$0x3FA0]  }
0x1a: {  	s8 =	sadd.s32 $0xFFFFE003, lr  }
0x1b: {  	s9 =	sadd.s32 $0xFFFFFEF7, lr;
	s5 =	simm.s32 $0xFFFFFFFF;
	p2 =	slt.u32 s8, $0xFFFFF086  }
0x1c: {  	p1 =	slt.u32 s9, $0xF7A;
	s5 =	simm.s32 @!p2 $0x0  }
0x1d: {  	s5 =	simm.s32 @p1 $0x1;
	p0 =	seq.s32 s7, s2  }
0x1e: {  	s7 =	smul.u32 @!p0 $0xF7A, s2;
	p2 =	seq.s32 @!p0 s5, $0x0  }
0x1f: {  	s9 =	smul.u32 $0xF7A, s1;
	s8 =	simm.s32 @!p0 $0x1BF5;
	p2 =	por !p2, p0  }
0x20: {  	[sflag:s8] =	ssyncset.s32 @!p0 $0xFFFFF086;
	s6 =	sadd.s32 @!p0 s3, s7;
	s7 =	simm.s32 @!p0 $0x108  }
0x21: {  	s3 =	sadd.s32 s3, s9;
	s6 =	sadd.s32 @!p0 $0x88, s6;
	s7 =	simm.s32 @p2 $0x1082  }
0x22: {  	[simem:s7], [sflag:s8] =	dma.local @!p0 [hbm:s6], $0xF7A  }
0x23: {  	s9 =	sor.u32 $0xD0000000, s2;
	s6 =	simm.s32 $0x108;
	_ =	swait.ge @!p0 [sflag:s8], $0x0  }
0x24: {  	s3 =	sadd.s32 $0x88, s3;
	s6 =	simm.s32 @!p1 $0x1082;
	[sflag:s4] =	ssyncset.s32 $0xFFFFF086  }
0x25: {  	[simem:s6], [sflag:s4] =	dma.local [hbm:s3], $0xF7A  }
0x26: {  	[smem:$0x3FA0] =	sst s1;
	(tag) =	ssettag s2;
	_ =	strace s9  }
0x27: {  	s1 =	sld [smem:$0x3FB0]  }
0x28: {  	s2 =	sld [smem:$0x3FB1]  }
0x29: {  	s4 =	sld [smem:$0x3FB3]  }
0x2a: {  	p0 =	seq.s32 s5, $0x0;
	s5 =	sld [smem:$0x3FB4]  }
0x2b: {  	s6 =	sld [smem:$0x3FB5]  }
0x2c: {  	s7 =	sld [smem:$0x3FB6]  }
0x2d: {  	s3 =	simm.s32 $0x108;
	s8 =	sld [smem:$0x3FB7]  }
0x2e: {  	s3 =	simm.s32 @!p0 $0x1082;
	s9 =	sld [smem:$0x3FB8]  }
0x2f: {  	lr =	sadd.s32 s0, s3;
	s0 =	sld [smem:$0x3FAF]  }
0x30: {  	s3 =	sld [smem:$0x3FB2]  }
0x31: {  	[smem:$0x3FBB] =	sst s10  }
0x32: {  	s10 =	sld [smem:$0x3FB9];
	_ =	sdelay $0x3  }
0x33: {  	p0 =	seq.s32 s10, $0x1;
	s10 =	sld [smem:$0x3FBB];
	_ =	sdelay $0x3  }
0x34: {  	[smem:$0x3FBB] =	sst s10  }
0x35: {  	s10 =	sld [smem:$0x3FBA];
	_ =	sdelay $0x3  }
0x36: {  	p1 =	seq.s32 s10, $0x1;
	s10 =	sld [smem:$0x3FBB];
	_ =	sdelay $0x3  }
0x37: {  	[smem:$0x3FBB] =	sst s10  }
0x38: {  	s10 =	sld [smem:$0x3FBC]  }
0x39: {  	_ = 	snop;
	(pc) =	sbr.ind lr, $3  }
0x3a: {  	_ = 	snop  }
0x3b: {  	_ = 	snop  }
0x3c: {  	p2 =	seq.s32 s10, $0x1;
	s10 =	sld [smem:$0x3FBB]  }
0x3d: {  	_ =	shalt  }
0x3e: {  	_ =	shalt  }
0x3f: {  	_ =	shalt  }
0x40: {  	_ =	shalt  }
0x41: {  	_ =	shalt  }
0x42: {  	_ =	shalt  }
0x43: {  	_ =	shalt  }
0x44: {  	_ =	shalt  }
0x45: {  	_ =	shalt  }
0x46: {  	_ =	shalt  }
0x47: {  	_ =	shalt  }
0x48: {  	_ =	shalt  }
0x49: {  	_ =	shalt  }
0x4a: {  	_ =	shalt  }
0x4b: {  	_ =	shalt  }
0x4c: {  	_ =	shalt  }
0x4d: {  	_ =	shalt  }
0x4e: {  	_ =	shalt  }
0x4f: {  	_ =	shalt  }
0x50: {  	_ =	shalt  }
0x51: {  	_ =	shalt  }
0x52: {  	_ =	shalt  }
0x53: {  	_ =	shalt  }
0x54: {  	_ =	shalt  }
0x55: {  	_ =	shalt  }
0x56: {  	_ =	shalt  }
0x57: {  	_ =	shalt  }
0x58: {  	_ =	shalt  }
0x59: {  	_ =	shalt  }
0x5a: {  	_ =	shalt  }
0x5b: {  	_ =	shalt  }
0x5c: {  	_ =	shalt  }
0x5d: {  	_ =	shalt  }
0x5e: {  	_ =	shalt  }
0x5f: {  	_ =	shalt  }
0x60: {  	_ =	shalt  }
0x61: {  	_ =	shalt  }
0x62: {  	_ =	shalt  }
0x63: {  	_ =	shalt  }
0x64: {  	_ =	shalt  }
0x65: {  	_ =	shalt  }
0x66: {  	_ =	shalt  }
0x67: {  	_ =	shalt  }
0x68: {  	_ =	shalt  }
0x69: {  	_ =	shalt  }
0x6a: {  	_ =	shalt  }
0x6b: {  	_ =	shalt  }
0x6c: {  	_ =	shalt  }
0x6d: {  	_ =	shalt  }
0x6e: {  	_ =	shalt  }
0x6f: {  	_ =	shalt  }
0x70: {  	_ =	shalt  }
0x71: {  	_ =	shalt  }
0x72: {  	_ =	shalt  }
0x73: {  	_ =	shalt  }
0x74: {  	_ =	shalt  }
0x75: {  	_ =	shalt  }
0x76: {  	_ =	shalt  }
0x77: {  	_ =	shalt  }
0x78: {  	_ =	shalt  }
0x79: {  	_ =	shalt  }
0x7a: {  	_ =	shalt  }
0x7b: {  	_ =	shalt  }
0x7c: {  	_ =	shalt  }
0x7d: {  	_ =	shalt  }
0x7e: {  	_ =	shalt  }
0x7f: {  	_ =	shalt  }
0x80: {  	_ =	shalt  }
0x81: {  	_ =	shalt  }
0x82: {  	_ =	shalt  }
0x83: {  	_ =	shalt  }
0x84: {  	_ =	shalt  }
0x85: {  	_ =	shalt  }
0x86: {  	_ =	shalt  }
0x87: {  	_ =	shalt  }
.Lfunc_end0:
.L_simem_size_0:
called_computation_lowered:
.L_overlay_start_0:
0x88: {  	s2 =	sld [smem:$0x3FD9]  }
0x89: {  	s3 =	sld [smem:$0x3FFE];
	_ =	sdelay $0x1  }
0x8a: {  	s1 =	srdreg.scid  }
0x8b: {  	s0 =	sand.u32 $0x1, s1  }
0x8c: {  	s17 =	sshll.u32 s0, $0xA;
	s2 =	sadd.s32 s3, s2  }
0x8d: {  	s2 =	sadd.s32 s2, s17  }
0x8e: {  	[smem:$0x3FC7] =	sst s2  }
0x8f: {  	_ = 	snop  }
0x90: {  	s2 =	sld [smem:$0x3FC9];
	(tm) =	ssettm $0x1  }
0x91: {  	s18 =	sld [smem:$0x3FFB];
	_ =	sdelay $0x3  }
0x92: {  	_ =	strace s18  }
0x93: {  	s3 =	sld [smem:$0x3FFC];
	_ =	sdelay $0x3  }
0x94: {  	_ =	strace s3  }
0x95: {  	s3 =	sld [smem:$0x3FFD];
	_ =	sdelay $0x3  }
0x96: {  	_ =	strace s3  }
0x97: {  	_ =	strace $0x8FFFFFFF  }
0x98: {  	s19 =	sld [smem:$0x3FDB];
	_ =	sdelay $0x1  }
0x99: {  	s4 =	simm.s32 $_scs_section_size  }
0x9a: {  	s5 =	simm.s32 $_size__tile_overlayer_lowered;
	s6 =	simm.s32 $_tile_overlayer_lowered  }
0x9b: {  	s22 =	simm.s32 $0x1BFF;
	s21 =	sshll.u32 s6, $0x1;
	s3 =	sadd.s32 s4, s19  }
0x9c: {  	s7 =	simm.s32 $0x0;
	s20 =	sshll.u32 s5, $0x1;
	s5 =	sadd.s32 s21, s3  }
0x9d: {  	[timem:s7], [sflag:s22] =	dma.local [hbm:s5], s20  }
0x9e: {  	_ =	swait.ge [sflag:s22], s20  }
0x9f: {  	s4 =	ssub.s32 $0x0, s20;
	[sflag:s22] =	ssyncset.done $0x0  }
0xa0: {  	[sflag:s22] =	ssyncadd.s32 s4;
	_ =	sdelay $0x1  }
0xa1: {  	s23 =	simm.s32 $0x1B8B  }
0xa2: {  	_ =	swait.ge [sflag:s23], $0x1  }
0xa3: {  	[sflag:s23] =	ssyncset.done $0x0  }
0xa4: {  	s25 =	simm.s32 $0x1B8E;
	s24 =	sld [smem:$0x3FFE];
	[sflag:s23] =	ssyncadd.s32 $0xFFFFFFFF  }
0xa5: {  	s26 =	simm.s32 $execute0_lowered;
	[smem:$0x3FD2] =	sst s25  }
0xa6: {  	s5 =	sshll.u32 s26, $0x1;
	_ =	strace $0x80000046;
	[dreg:$0x1] =	wrdreg $0xFFFFFFFF  }
0xa7: {  	s28 =	simm.s32 $_size_execute0_lowered;
	s3 =	sadd.s32 s3, s5;
	[dreg:$0x0] =	wrdreg $0x0  }
0xa8: {  	s5 =	sshll.u32 s28, $0x1;
	[dreg:$0x2] =	wrdreg s3  }
0xa9: {  	[dreg:$0x3] =	wrdreg s5  }
0xaa: {  	[dreg:$0x4] =	wrdreg $0xC0  }
0xab: {  	_ =	task [dreg:s7], $0x5FFFF  }
0xac: {  	[dreg:$0x1] =	wrdreg $0xFFFFFFFF  }
0xad: {  	[dreg:$0x0] =	wrdreg $0x60  }
0xae: {  	[dreg:$0x2] =	wrdreg s2  }
0xaf: {  	[dreg:$0x3] =	wrdreg s24  }
0xb0: {  	[dreg:$0x4] =	wrdreg $0x9  }
0xb1: {  	_ =	task.clear_ibuf [dreg:s7], $0x5FFFF;
	_ =	strace $0x90000046  }
0xb2: {  	s29 =	simm.s32 $0x9;
	_ =	strace $0x80000048  }
0xb3: {  	_ =	swait.ge [sflag:s29], $0x1  }
0xb4: {  	[sflag:s29] =	ssyncadd.s32 $0xFFFFFFFF  }
0xb5: {  	_ =	strace $0x90000048  }
0xb6: {  	_ =	sfence  }
0xb7: {  	s30 =	sld [smem:$0x0];
	_ =	sdelay $0x2  }
0xb8: {  	s31 =	sshll.u32 s1, $0xD;
	s1 =	sshrl.u32 s1, $0x2  }
0xb9: {  	s3 =	sand.u32 $0x4000, s31;
	s1 =	sadd.s32 s1, s30  }
0xba: {  	s0 =	sor.u32 s3, s0;
	s1 =	sshll.u32 s1, $0x11  }
0xbb: {  	s0 =	sor.u32 s1, s0  }
0xbc: {  	s0 =	sadd.s32 $0x8F2B, s0  }
0xbd: {  	[sflag:s0] =	ssyncadd.remote.s32 $0x1  }
0xbe: {  	_ =	sfence.sel $0xFFFF  }
0xbf: {  	[dreg:$0x0] =	wrdreg $0xFFFFFFFF;
	(pc) =	sbr.abs _section_cstart, $3  }
0xc0: {  	[dreg:$0x1] =	wrdreg $0xFFFFFFFF  }
0xc1: {  	_ =	task.clear_ibuf [dreg:s7], $0x2FFFF;
	_ =	strace $0x9FFFFFFF  }
0xc2: {  	(tm) =	ssettm $0x7FFFFFFF  }
0xc3: {  	_ =	shalt  }
tec
execute0_lowered:
.L_overlay_start_1:
0x0: {  	(tag) =	ssettag $0x1  }
0x1: {  	v1 =	vimm.s32 $0xFEDCBA9;
	v2 =	vimm.s32 $0x87654321  }
0x2: {  	v0 =	vimm.s32 $0x0;
	v3 =	vunpack.c.l.s4.s8 v1;
	v4 =	vunpack.c.l.s4.s8 v2  }
0x3: {  	v5 =	vimm.s32 $0x10FEDCBA;
	v10 =	vimm.s32 $0xBA987654;
	v11 =	vimm.s32 $0xFEDCBA98  }
0x4: {  	s0 =	rddreg [dreg:$0x0];
	v12 =	vimm.s32 $0x76543210;
	v6 =	vunpack.c.0.s8.s32 v3;
	v7 =	vunpack.c.0.s8.s32 v4  }
0x5: {  	s5 =	rddreg [dreg:$0x1];
	v1 =	vimm.s32 $0x1;
	v8 =	vunpack.c.l.s4.s8 v5;
	v10 =	vunpack.c.l.s4.s8 v10  }
0x6: {  	s1 =	rddreg [dreg:$0x2];
	s4 =	srdreg.scid;
	v11 =	vunpack.c.l.s4.s8 v11;
	v12 =	vunpack.c.l.s4.s8 v12;
	v9 =	vcombine.low v7, v6  }
0x7: {  	s3 =	simm.s32 $0x0;
	s2 =	stileid.u32;
	s10 =	simm.s32 $0x8000;
	v6 =	vunpack.c.0.s8.s32 v8;
	v7 =	vimm.s32 $0x98765432;
	v8 =	vimm.s32 $0x3210FEDC  }
0x8: {  	s11 =	simm.s32 $0x2;
	s12 =	simm.s32 $0x10000;
	s13 =	simm.s32 $0x3;
	v11 =	vunpack.c.0.s8.s32 v11;
	v7 =	vunpack.c.l.s4.s8 v7;
	v8 =	vunpack.c.l.s4.s8 v8  }
0x9: {  	s14 =	simm.s32 $0x0;
	v2 =	vimm.s32 $0x2;
	s6 =	sand.u32 $0x1, s4;
	[smem:$0x7FF] =	sst s3;
	v10 =	vunpack.c.0.s8.s32 v10;
	v12 =	vunpack.c.0.s8.s32 v12  }
0xa: {  	s31 =	sshll.u32 s2, $0x8;
	s7 =	sshll.u32 s6, $0x7;
	s6 =	ssub.s32 $0x2, s6;
	v11 =	vand.u32 $0xF, v11;
	v7 =	vunpack.c.0.s8.s32 v7;
	v8 =	vunpack.c.0.s8.s32 v8  }
0xb: {  	v5 =	vimm.s32 $0x5;
	_ =	strace $0x80000047;
	v3 =	vimm.s32 $0x3;
	s4 =	sor.u32 s7, s31;
	s8 =	sshrl.u32 s6, $0x1;
	v11 =	vcombine.low v11, v12  }
0xc: {  	v4 =	vimm.s32 $0x4;
	s7 =	sshrl.u32 s4, $0x3;
	s9 =	sshll.u32 s4, $0x7;
	s8 =	ssub.s32 s6, s8;
	v13 =	vcombine.low v7, v6;
	v10 =	vcombine.low v10, v8  }
0xd: {  	s7 =	sadd.s32 s7, s5;
	s5 =	sadd.s32 s0, s9;
	s8 =	smax.u32 s8, $0x1;
	v12 =	vlaneseq.u32;
	v6 =	vimm.s32 $0x6;
	v7 =	vimm.s32 $0x7  }
0xe: {  	s9 =	simm.s32 $0x1;
	s6 =	sadd.s32 $0x2000, s5;
	s7 =	sadd.s32 $0x400, s7;
	v8 =	vand.u32 $0xF, v9;
	v9 =	vand.u32 $0xF, v13;
	v10 =	vand.u32 $0xF, v10  }
.LBB2_1:
0xf: {  	[tilespmem:s3], [sflag:$0x1] =	stream.linear.gather [hbm4b:s5+s3], $0x8000, $0x38;
	[tilespmem:$0x10080] =	vst v63  }
0x10: {  	p1 =	por $0x1, $0x1;
	s15 =	simm.s32 $0x0  }
.LBB2_2:
0x11: {  	s17 =	sshll.u32 s15, $0x6;
	_ =	swait.ge [sflag:s9], $0x8000  }
0x12: {  	p0 =	por p1, p1;
	p2 =	por $0x1, $0x1;
	s15 =	sor.u32 $0x20, s17  }
0x13: {  	[sflag:s9] =	ssyncset.done $0x0;
	s17 =	sand.u32 $0x3FFFFFC0, s17;
	s16 =	sor.u32 s4, s15  }
0x14: {  	[sflag:s9] =	ssyncadd.s32 $0xFFFF8000;
	s17 =	sadd.s32 $0x10000, s17;
	s16 =	sshll.u32 s16, $0x7  }
0x15: {  	v13 =	vmov s17;
	s17 =	simm.s32 $0x0;
	s18 =	sadd.s32 s0, s16;
	s16 =	simm.s32 $0x0  }
0x16: {  	[tilespmem:s10], [sflag:$0x2] =	stream.linear.gather [hbm4b:s18+s16], $0x8000, $0x38;
	[tilespmem:$0x10080] =	vst v63  }
.LBB2_3:
0x17: {  	s18 =	sshll.u32 s17, $0xE  }
0x18: {  	s20 =	sand.u32 $0x380, s16;
	s19 =	sand.u32 $0x6000, s18  }
0x19: {  	s19 =	sor.u32 s20, s19  }
0x1a: {  	v15 =	vld [tilespmem:s19+$0x0]  }
0x1b: {  	v16 =	vld [tilespmem:s19+$0x10]  }
0x1c: {  	v17 =	vld [tilespmem:s19+$0x20]  }
0x1d: {  	v18 =	vld [tilespmem:s19+$0x30]  }
0x1e: {  	v19 =	vld [tilespmem:s19+$0x40]  }
0x1f: {  	v20 =	vld [tilespmem:s19+$0x50]  }
0x20: {  	v21 =	vld [tilespmem:s19+$0x60]  }
0x21: {  	v22 =	vld [tilespmem:s19+$0x70]  }
0x22: {  	v23 =	vld [tilespmem:s19+$0x400]  }
0x23: {  	v24 =	vld [tilespmem:s19+$0x410]  }
0x24: {  	v25 =	vld [tilespmem:s19+$0x420]  }
0x25: {  	v26 =	vld [tilespmem:s19+$0x430]  }
0x26: {  	v27 =	vld [tilespmem:s19+$0x440]  }
0x27: {  	v28 =	vld [tilespmem:s19+$0x450]  }
0x28: {  	v29 =	vld [tilespmem:s19+$0x460]  }
0x29: {  	v30 =	vld [tilespmem:s19+$0x470]  }
0x2a: {  	v31 =	vld [tilespmem:s19+$0x800]  }
0x2b: {  	v14 =	vimm.s32 $0x0;
	v32 =	vld [tilespmem:s19+$0x810];
	vm0 =	vgt.f32 v23, v15  }
0x2c: {  	v33 =	vld [tilespmem:s19+$0x820];
	vm1 =	vgt.f32 v24, v16;
	vm2 =	vgt.f32 v25, v17;
	vm3 =	vgt.f32 v26, v18  }
0x2d: {  	v34 =	vld [tilespmem:s19+$0x830];
	vm4 =	vgt.f32 v27, v19;
	vm5 =	vgt.f32 v28, v20;
	vm6 =	vgt.f32 v29, v21  }
0x2e: {  	v37 =	vld [tilespmem:s19+$0x840];
	vm7 =	vgt.f32 v30, v22;
	v35 =	vsel vm0, $0x8, v0;
	v36 =	vsel vm1, $0x9, v1  }
0x2f: {  	v41 =	vld [tilespmem:s19+$0x850];
	v38 =	vsel vm2, $0xA, v2;
	v39 =	vsel vm3, $0xB, v3;
	v40 =	vsel vm4, $0xC, v4  }
0x30: {  	v61 =	vld [tilespmem:s19+$0xC40];
	v42 =	vsel vm5, $0xD, v5;
	v43 =	vsel vm6, $0xE, v6;
	v15 =	vsel vm0, v23, v15  }
0x31: {  	v49 =	vld [tilespmem:s19+$0xC50];
	v44 =	vsel vm7, $0xF, v7;
	v16 =	vsel vm1, v24, v16;
	v17 =	vsel vm2, v25, v17  }
0x32: {  	v53 =	vld [tilespmem:s19+$0x1040];
	v18 =	vsel vm3, v26, v18;
	v19 =	vsel vm4, v27, v19;
	v20 =	vsel vm5, v28, v20  }
0x33: {  	v23 =	vld [tilespmem:s19+$0x860];
	v21 =	vsel vm6, v29, v21;
	v22 =	vsel vm7, v30, v22;
	vm0 =	vgt.f32 v31, v15  }
0x34: {  	v24 =	vld [tilespmem:s19+$0x870];
	vm1 =	vgt.f32 v32, v16;
	vm2 =	vgt.f32 v33, v17;
	vm3 =	vgt.f32 v34, v18  }
0x35: {  	v25 =	vld [tilespmem:s19+$0xC00];
	vm4 =	vgt.f32 v37, v19;
	vm5 =	vgt.f32 v41, v20;
	v29 =	vsel vm0, $0x10, v35  }
0x36: {  	v26 =	vld [tilespmem:s19+$0xC10];
	v30 =	vsel vm1, $0x11, v36;
	v62 =	vsel vm2, $0x12, v38;
	v63 =	vsel vm3, $0x13, v39  }
0x37: {  	v27 =	vld [tilespmem:s19+$0xC20];
	v48 =	vsel vm4, $0x14, v40;
	v42 =	vsel vm5, $0x15, v42;
	v15 =	vsel vm0, v31, v15  }
0x38: {  	v28 =	vld [tilespmem:s19+$0xC30];
	v16 =	vsel vm1, v32, v16;
	v19 =	vsel vm4, v37, v19;
	v20 =	vsel vm5, v41, v20  }
0x39: {  	v54 =	vld [tilespmem:s19+$0x1050];
	v17 =	vsel vm2, v33, v17;
	vm4 =	vgt.f32 v61, v19;
	vm5 =	vgt.f32 v49, v20  }
0x3a: {  	v50 =	vld [tilespmem:s19+$0xC70];
	v18 =	vsel vm3, v34, v18;
	v39 =	vsel vm4, $0x1C, v48;
	v42 =	vsel vm5, $0x1D, v42  }
0x3b: {  	v51 =	vld [tilespmem:s19+$0x1000];
	v19 =	vsel vm4, v61, v19;
	v20 =	vsel vm5, v49, v20;
	vm6 =	vgt.f32 v23, v21  }
0x3c: {  	v52 =	vld [tilespmem:s19+$0x1030];
	vm7 =	vgt.f32 v24, v22;
	vm0 =	vgt.f32 v25, v15;
	vm1 =	vgt.f32 v26, v16  }
0x3d: {  	v45 =	vld [tilespmem:s19+$0x1060];
	vm2 =	vgt.f32 v27, v17;
	vm3 =	vgt.f32 v28, v18;
	vm4 =	vgt.f32 v53, v19  }
0x3e: {  	v31 =	vld [tilespmem:s19+$0xC60];
	vm5 =	vgt.f32 v54, v20;
	v43 =	vsel vm6, $0x16, v43;
	v44 =	vsel vm7, $0x17, v44  }
0x3f: {  	v47 =	vld [tilespmem:s19+$0x1450];
	v21 =	vsel vm6, v23, v21;
	v22 =	vsel vm7, v24, v22;
	v29 =	vsel vm0, $0x18, v29  }
0x40: {  	v55 =	vld [tilespmem:s19+$0x1430];
	v30 =	vsel vm1, $0x19, v30;
	v36 =	vsel vm2, $0x1A, v62;
	v38 =	vsel vm3, $0x1B, v63  }
0x41: {  	v46 =	vld [tilespmem:s19+$0x1440];
	v15 =	vsel vm0, v25, v15;
	v16 =	vsel vm1, v26, v16;
	v17 =	vsel vm2, v27, v17  }
0x42: {  	v48 =	vld [tilespmem:s19+$0x1470];
	v18 =	vsel vm3, v28, v18;
	v58 =	vsel vm4, $0x24, v39;
	v59 =	vsel vm5, $0x25, v42  }
0x43: {  	v23 =	vld [tilespmem:s19+$0x1010];
	v41 =	vsel vm5, v54, v20;
	vm6 =	vgt.f32 v31, v21;
	vm7 =	vgt.f32 v50, v22  }
0x44: {  	v24 =	vld [tilespmem:s19+$0x1020];
	vm0 =	vgt.f32 v51, v15;
	vm3 =	vgt.f32 v52, v18;
	vm5 =	vgt.f32 v47, v41  }
0x45: {  	v25 =	vld [tilespmem:s19+$0x1070];
	v43 =	vsel vm6, $0x1E, v43;
	v44 =	vsel vm7, $0x1F, v44;
	v21 =	vsel vm6, v31, v21  }
0x46: {  	v26 =	vld [tilespmem:s19+$0x1400];
	v22 =	vsel vm7, v50, v22;
	v29 =	vsel vm0, $0x20, v29;
	v57 =	vsel vm3, $0x23, v38  }
0x47: {  	v27 =	vld [tilespmem:s19+$0x1410];
	v63 =	vsel vm0, v51, v15;
	v49 =	vsel vm3, v52, v18;
	v50 =	vsel vm4, v53, v19  }
0x48: {  	v62 =	vld [tilespmem:s19+$0x1460];
	v35 =	vsel vm5, $0x2D, v59;
	v40 =	vsel vm5, v47, v41;
	vm6 =	vgt.f32 v45, v21  }
0x49: {  	v28 =	vld [tilespmem:s19+$0x1420];
	vm3 =	vgt.f32 v55, v49;
	vm4 =	vgt.f32 v46, v50;
	v60 =	vsel vm6, $0x26, v43  }
0x4a: {  	v20 =	vld [tilespmem:s19+$0x1850];
	v45 =	vsel vm6, v45, v21;
	v33 =	vsel vm3, $0x2B, v57;
	v34 =	vsel vm4, $0x2C, v58  }
0x4b: {  	v15 =	vld [tilespmem:s19+$0x1800];
	v38 =	vsel vm3, v55, v49;
	v39 =	vsel vm4, v46, v50;
	vm1 =	vgt.f32 v23, v16  }
0x4c: {  	v18 =	vld [tilespmem:s19+$0x1830];
	vm2 =	vgt.f32 v24, v17;
	vm7 =	vgt.f32 v25, v22;
	vm0 =	vgt.f32 v26, v63  }
0x4d: {  	v19 =	vld [tilespmem:s19+$0x1840];
	vm6 =	vgt.f32 v62, v45;
	v31 =	vsel vm1, $0x21, v30;
	v56 =	vsel vm2, $0x22, v36  }
0x4e: {  	s26 =	sand.u32 $0x7, s16;
	v61 =	vsel vm7, $0x27, v44;
	v23 =	vsel vm1, v23, v16;
	v24 =	vsel vm2, v24, v17;
	v16 =	vld [tilespmem:s19+$0x1810]  }
0x4f: {  	s20 =	sshll.u32 s26, $0x7;
	v25 =	vsel vm7, v25, v22;
	v17 =	vld [tilespmem:s19+$0x1820];
	v30 =	vsel vm0, $0x28, v29;
	v36 =	vsel vm6, $0x2E, v60  }
0x50: {  	s24 =	sadd.s32 s20, s18;
	v22 =	vld [tilespmem:s19+$0x1860];
	v26 =	vsel vm0, v26, v63;
	v42 =	vsel vm6, v62, v45;
	vm2 =	vgt.f32 v28, v24  }
0x51: {  	s28 =	sor.u32 $0x1C00, s24;
	vm6 =	vgt.f32 v20, v40;
	vm1 =	vgt.f32 v27, v23;
	v28 =	vsel vm2, v28, v24;
	v24 =	vld [tilespmem:s19+$0x1870]  }
0x52: {  	s31 =	sor.u32 $0x1C30, s24;
	v21 =	vld [tilespmem:s28+$0x0];
	vm7 =	vgt.f32 v48, v25;
	vm0 =	vgt.f32 v15, v26;
	vm5 =	vgt.f32 v19, v39  }
0x53: {  	p1 =	por p2, p2;
	s29 =	sor.u32 $0x1C10, s24;
	v29 =	vld [tilespmem:s31+$0x0];
	v31 =	vsel vm1, $0x29, v31;
	v32 =	vsel vm2, $0x2A, v56;
	v37 =	vsel vm7, $0x2F, v61  }
0x54: {  	s21 =	simm.s32 $0x0;
	s22 =	simm.s32 $0x0;
	s30 =	sor.u32 $0x1C20, s24;
	v27 =	vsel vm1, v27, v23;
	v41 =	vsel vm7, v48, v25;
	v23 =	vld [tilespmem:s29+$0x0];
	vm1 =	vgt.f32 v18, v38  }
0x55: {  	s20 =	simm.s32 $0x1;
	s23 =	sor.u32 $0x1C40, s24;
	v25 =	vld [tilespmem:s30+$0x0];
	s19 =	simm.s32 $0x0;
	vm2 =	vgt.f32 v16, v27;
	vm3 =	vgt.f32 v17, v28;
	vm4 =	vgt.f32 v22, v42  }
.LBB2_4:
0x56: {  	p2 =	sne.s32 s20, $0xF;
	v30 =	vsel vm0, $0x30, v30;
	v31 =	vsel vm2, $0x31, v31;
	vm7 =	vgt.f32 v24, v41;
	v43 =	vld [tilespmem:s23+$0x0];
	s23 =	sor.u32 $0x1C50, s24  }
0x57: {  	v32 =	vsel vm3, $0x32, v32;
	v33 =	vsel vm1, $0x33, v33;
	v34 =	vsel vm5, $0x34, v34;
	v44 =	vld [tilespmem:s23+$0x0];
	s23 =	sor.u32 $0x1C60, s24  }
0x58: {  	v35 =	vsel vm6, $0x35, v35;
	v36 =	vsel vm4, $0x36, v36;
	v37 =	vsel vm7, $0x37, v37;
	v45 =	vld [tilespmem:s23+$0x0];
	s23 =	sor.u32 $0x1C70, s24  }
0x59: {  	v15 =	vsel vm0, v15, v26;
	v16 =	vsel vm2, v16, v27;
	v17 =	vsel vm3, v17, v28;
	v26 =	vld [tilespmem:s23+$0x0]  }
0x5a: {  	v18 =	vsel vm1, v18, v38;
	v19 =	vsel vm5, v19, v39;
	v20 =	vsel vm6, v20, v40  }
0x5b: {  	v22 =	vsel vm4, v22, v42;
	v24 =	vsel vm7, v24, v41;
	vm0 =	vgt.f32 v21, v15  }
0x5c: {  	vm1 =	vgt.f32 v23, v16;
	vm2 =	vgt.f32 v25, v17;
	vm3 =	vgt.f32 v29, v18  }
0x5d: {  	vm4 =	vgt.f32 v43, v19;
	vm5 =	vgt.f32 v44, v20;
	vm6 =	vgt.f32 v45, v22  }
0x5e: {  	v15 =	vsel vm0, v21, v15;
	v21 =	vsel vm0, $0x38, v30;
	vm0 =	vgt.f32 v26, v24  }
0x5f: {  	v16 =	vsel vm1, v23, v16;
	v23 =	vsel vm1, $0x39, v31;
	v17 =	vsel vm2, v25, v17  }
0x60: {  	s21 =	sadd.s32 $0x80, s21;
	s18 =	sadd.s32 $0x400, s18;
	v25 =	vsel vm2, $0x3A, v32;
	v18 =	vsel vm3, v29, v18;
	v27 =	vsel vm3, $0x3B, v33  }
0x61: {  	s24 =	sand.u32 $0x380, s21;
	s23 =	sand.u32 $0x6000, s18;
	v19 =	vsel vm4, v43, v19;
	v28 =	vsel vm4, $0x3C, v34;
	v20 =	vsel vm5, v44, v20  }
0x62: {  	s23 =	sor.u32 s24, s23;
	v29 =	vsel vm5, $0x3D, v35;
	v22 =	vsel vm6, v45, v22;
	v30 =	vsel vm6, $0x3E, v36  }
0x63: {  	v24 =	vsel vm0, v26, v24;
	v26 =	vsel vm0, $0x3F, v37;
	vm0 =	vgt.f32 v16, v15;
	v31 =	vld [tilespmem:s23+$0x0]  }
0x64: {  	vm1 =	vgt.f32 v18, v17;
	vm2 =	vgt.f32 v20, v19;
	vm3 =	vgt.f32 v24, v22;
	v32 =	vld [tilespmem:s23+$0x10]  }
0x65: {  	vm4 =	veq.f32 v16, v15;
	vm5 =	vlt.u32 v23, v21;
	vm6 =	veq.f32 v18, v17;
	v33 =	vld [tilespmem:s23+$0x20]  }
0x66: {  	vm7 =	vlt.u32 v27, v25;
	vm8 =	veq.f32 v20, v19;
	vm9 =	vlt.u32 v29, v28;
	v34 =	vld [tilespmem:s23+$0x30]  }
0x67: {  	vm4 =	vmand vm4, vm5;
	vm5 =	veq.f32 v24, v22;
	vm10 =	vlt.u32 v26, v30;
	v35 =	vld [tilespmem:s23+$0x40]  }
0x68: {  	vm6 =	vmand vm6, vm7;
	vm7 =	vmand vm8, vm9;
	vm5 =	vmand vm5, vm10;
	v36 =	vld [tilespmem:s23+$0x50]  }
0x69: {  	vm0 =	vmor vm0, vm4;
	vm1 =	vmor vm1, vm6;
	vm2 =	vmor vm2, vm7;
	v37 =	vld [tilespmem:s23+$0x60]  }
0x6a: {  	v15 =	vsel vm0, v16, v15;
	v16 =	vsel vm0, v23, v21;
	vm0 =	vmor vm3, vm5;
	v38 =	vld [tilespmem:s23+$0x70]  }
0x6b: {  	v17 =	vsel vm1, v18, v17;
	v18 =	vsel vm1, v27, v25;
	v19 =	vsel vm2, v20, v19;
	v21 =	vld [tilespmem:s23+$0x400]  }
0x6c: {  	v23 =	vsel vm2, v29, v28;
	v22 =	vsel vm0, v24, v22;
	v24 =	vsel vm0, v26, v30;
	v20 =	vld [tilespmem:s23+$0x410]  }
0x6d: {  	vm1 =	veq.f32 v17, v15;
	vm2 =	vlt.u32 v18, v16;
	vm0 =	vgt.f32 v17, v15;
	v25 =	vld [tilespmem:s23+$0x420]  }
0x6e: {  	vm1 =	vmand vm1, vm2;
	vm2 =	veq.f32 v22, v19;
	vm3 =	vlt.u32 v24, v23;
	v26 =	vld [tilespmem:s23+$0x430]  }
0x6f: {  	vm0 =	vmor vm0, vm1;
	vm1 =	vgt.f32 v22, v19;
	vm2 =	vmand vm2, vm3;
	v27 =	vld [tilespmem:s23+$0x440]  }
0x70: {  	v15 =	vsel vm0, v17, v15;
	vm1 =	vmor vm1, vm2;
	v28 =	vld [tilespmem:s23+$0x450]  }
0x71: {  	v16 =	vsel vm0, v18, v16;
	v18 =	vsel vm1, v22, v19;
	v19 =	vsel vm1, v24, v23;
	v17 =	vld [tilespmem:s23+$0x460]  }
0x72: {  	vm0 =	veq.f32 v18, v15;
	vm1 =	vlt.u32 v19, v16;
	v22 =	vld [tilespmem:s23+$0x470]  }
0x73: {  	v23 =	vmov s19;
	s19 =	smov.u32 s20;
	vm2 =	vgt.f32 v18, v15;
	vm0 =	vmand vm0, vm1  }
0x74: {  	vm1 =	vmor vm2, vm0;
	vm0 =	veq.s32 v23, v12;
	vm8 =	vgt.f32 v21, v31  }
0x75: {  	v15 =	vsel vm1, v18, v15;
	vm6 =	vgt.f32 v20, v32;
	vm7 =	vgt.f32 v25, v33  }
0x76: {  	v18 =	vperm.xlane v15, v8;
	vm2 =	vgt.f32 v26, v34;
	vm3 =	vgt.f32 v27, v35  }
0x77: {  	vm9 =	vgt.f32 v28, v36;
	vm4 =	vgt.f32 v17, v37;
	vm5 =	vgt.f32 v22, v38;
	v23 =	vld [tilespmem:s23+$0x800]  }
0x78: {  	v18 =	vmax.f32 v15, v18;
	v24 =	vsel vm8, $0x8, v0;
	v29 =	vsel vm6, $0x9, v1;
	v30 =	vld [tilespmem:s23+$0x810]  }
0x79: {  	v42 =	vperm.xlane v18, v9;
	v39 =	vsel vm7, $0xA, v2;
	v40 =	vsel vm2, $0xB, v3;
	v41 =	vld [tilespmem:s23+$0x820]  }
0x7a: {  	v43 =	vsel vm3, $0xC, v4;
	v44 =	vsel vm9, $0xD, v5;
	v45 =	vsel vm4, $0xE, v6;
	v46 =	vld [tilespmem:s23+$0x830]  }
0x7b: {  	v21 =	vsel vm8, v21, v31;
	v18 =	vmax.f32 v18, v42;
	v31 =	vsel vm5, $0xF, v7;
	v47 =	vld [tilespmem:s23+$0x840]  }
0x7c: {  	v20 =	vsel vm6, v20, v32;
	v25 =	vsel vm7, v25, v33;
	v33 =	vperm.xlane v18, v10;
	v32 =	vld [tilespmem:s23+$0x850]  }
0x7d: {  	v26 =	vsel vm2, v26, v34;
	v27 =	vsel vm3, v27, v35;
	v28 =	vsel vm9, v28, v36;
	v34 =	vld [tilespmem:s23+$0x860]  }
0x7e: {  	v18 =	vmax.f32 v18, v33;
	v17 =	vsel vm4, v17, v37;
	v22 =	vsel vm5, v22, v38;
	v35 =	vld [tilespmem:s23+$0x870]  }
0x7f: {  	v33 =	vperm.xlane v18, v11;
	vm5 =	vgt.f32 v23, v21;
	vm3 =	vgt.f32 v30, v20  }
0x80: {  	v16 =	vsel vm1, v19, v16;
	vm4 =	vgt.f32 v41, v25;
	vm2 =	vgt.f32 v46, v26  }
0x81: {  	v16 =	vshll.u32 v16, $0x4;
	v18 =	vmax.f32 v18, v33;
	vm1 =	vgt.f32 v47, v27  }
0x82: {  	v16 =	vor.u32 v12, v16;
	vm9 =	veq.f32 v15, v18;
	vm6 =	vgt.f32 v32, v28;
	v19 =	vld [tilespmem:s23+$0xC00]  }
0x83: {  	v16 =	vnsel vm9, $0x40000000, v16;
	vm7 =	vgt.f32 v34, v17;
	vm8 =	vgt.f32 v35, v22;
	v15 =	vld [tilespmem:s23+$0xC10]  }
0x84: {  	v33 =	vperm.xlane v16, v8;
	v18 =	vsel vm5, $0x10, v24;
	v24 =	vsel vm3, $0x11, v29;
	v29 =	vld [tilespmem:s23+$0xC20]  }
0x85: {  	v36 =	vsel vm4, $0x12, v39;
	v37 =	vsel vm2, $0x13, v40;
	v38 =	vsel vm1, $0x14, v43;
	v39 =	vld [tilespmem:s23+$0xC30]  }
0x86: {  	vm9 =	vlt.s32 v16, v33;
	v40 =	vsel vm6, $0x15, v44;
	v42 =	vsel vm7, $0x16, v45;
	v43 =	vld [tilespmem:s23+$0xC40]  }
0x87: {  	v21 =	vsel vm5, v23, v21;
	v16 =	vsel vm9, v16, v33;
	v23 =	vsel vm8, $0x17, v31;
	v31 =	vld [tilespmem:s23+$0xC50]  }
0x88: {  	v20 =	vsel vm3, v30, v20;
	v25 =	vsel vm4, v41, v25;
	v33 =	vperm.xlane v16, v9;
	v30 =	vld [tilespmem:s23+$0xC60]  }
0x89: {  	v26 =	vsel vm2, v46, v26;
	v27 =	vsel vm1, v47, v27;
	v28 =	vsel vm6, v32, v28;
	v32 =	vld [tilespmem:s23+$0xC70]  }
0x8a: {  	vm1 =	vlt.s32 v16, v33;
	v17 =	vsel vm7, v34, v17;
	v22 =	vsel vm8, v35, v22  }
0x8b: {  	v16 =	vsel vm1, v16, v33;
	vm7 =	vgt.f32 v19, v21;
	vm8 =	vgt.f32 v15, v20  }
0x8c: {  	v34 =	vperm.xlane v16, v10;
	vm2 =	vgt.f32 v29, v25;
	vm3 =	vgt.f32 v39, v26;
	v33 =	vld [tilespmem:s23+$0x1000]  }
0x8d: {  	vm4 =	vgt.f32 v43, v27;
	vm5 =	vgt.f32 v31, v28;
	vm1 =	vgt.f32 v30, v17;
	v35 =	vld [tilespmem:s23+$0x1010]  }
0x8e: {  	vm9 =	vlt.s32 v16, v34;
	v18 =	vsel vm7, $0x18, v18;
	vm6 =	vgt.f32 v32, v22;
	v41 =	vld [tilespmem:s23+$0x1020]  }
0x8f: {  	v16 =	vsel vm9, v16, v34;
	v24 =	vsel vm8, $0x19, v24;
	v36 =	vsel vm2, $0x1A, v36;
	v44 =	vld [tilespmem:s23+$0x1030]  }
0x90: {  	v45 =	vperm.xlane v16, v11;
	v34 =	vsel vm3, $0x1B, v37;
	v37 =	vsel vm4, $0x1C, v38;
	v38 =	vld [tilespmem:s23+$0x1040]  }
0x91: {  	v40 =	vsel vm5, $0x1D, v40;
	v42 =	vsel vm1, $0x1E, v42;
	v23 =	vsel vm6, $0x1F, v23;
	v46 =	vld [tilespmem:s23+$0x1050]  }
0x92: {  	v19 =	vsel vm7, v19, v21;
	v15 =	vsel vm8, v15, v20;
	vm7 =	vlt.s32 v16, v45;
	v20 =	vld [tilespmem:s23+$0x1060]  }
0x93: {  	v21 =	vsel vm2, v29, v25;
	v16 =	vsel vm7, v16, v45;
	v25 =	vsel vm3, v39, v26;
	v26 =	vld [tilespmem:s23+$0x1070]  }
0x94: {  	v14 =	vsel vm0, v16, v14;
	v27 =	vsel vm4, v43, v27;
	v28 =	vsel vm5, v31, v28;
	v29 =	vld [tilespmem:s23+$0x1400]  }
0x95: {  	v16 =	vsel vm1, v30, v17;
	v17 =	vsel vm6, v32, v22;
	vm0 =	vgt.f32 v33, v19;
	v39 =	vld [tilespmem:s23+$0x1410]  }
0x96: {  	vm1 =	vgt.f32 v35, v15;
	vm2 =	vgt.f32 v41, v21;
	vm3 =	vgt.f32 v44, v25;
	v43 =	vld [tilespmem:s23+$0x1420]  }
0x97: {  	vm4 =	vgt.f32 v38, v27;
	vm5 =	vgt.f32 v46, v28;
	vm6 =	vgt.f32 v20, v16;
	v45 =	vld [tilespmem:s23+$0x1430]  }
0x98: {  	v22 =	vsel vm0, $0x20, v18;
	v24 =	vsel vm1, $0x21, v24;
	vm7 =	vgt.f32 v26, v17;
	v47 =	vld [tilespmem:s23+$0x1440]  }
0x99: {  	v32 =	vsel vm2, $0x22, v36;
	v34 =	vsel vm3, $0x23, v34;
	v36 =	vsel vm4, $0x24, v37;
	v48 =	vld [tilespmem:s23+$0x1450]  }
0x9a: {  	v37 =	vsel vm5, $0x25, v40;
	v40 =	vsel vm6, $0x26, v42;
	v23 =	vsel vm7, $0x27, v23;
	v42 =	vld [tilespmem:s23+$0x1460]  }
0x9b: {  	v49 =	vsel vm0, v33, v19;
	v50 =	vsel vm1, v35, v15;
	v21 =	vsel vm2, v41, v21;
	v41 =	vld [tilespmem:s23+$0x1470]  }
0x9c: {  	v25 =	vsel vm3, v44, v25;
	v44 =	vsel vm4, v38, v27;
	v46 =	vsel vm5, v46, v28;
	v15 =	vld [tilespmem:s23+$0x1800]  }
0x9d: {  	v51 =	vsel vm6, v20, v16;
	v52 =	vsel vm7, v26, v17;
	vm2 =	vgt.f32 v29, v49;
	v16 =	vld [tilespmem:s23+$0x1810]  }
0x9e: {  	vm3 =	vgt.f32 v39, v50;
	vm4 =	vgt.f32 v43, v21;
	vm1 =	vgt.f32 v45, v25;
	v17 =	vld [tilespmem:s23+$0x1820]  }
0x9f: {  	s22 =	sadd.s32 $0x1, s22;
	vm5 =	vgt.f32 v47, v44;
	vm6 =	vgt.f32 v48, v46;
	vm0 =	vgt.f32 v42, v51;
	v18 =	vld [tilespmem:s23+$0x1830]  }
0xa0: {  	s24 =	sand.u32 $0x7, s22;
	v30 =	vsel vm2, $0x28, v22;
	v31 =	vsel vm3, $0x29, v24;
	vm7 =	vgt.f32 v41, v52;
	v19 =	vld [tilespmem:s23+$0x1840]  }
0xa1: {  	s24 =	sshll.u32 s24, $0x7;
	v32 =	vsel vm4, $0x2A, v32;
	v33 =	vsel vm1, $0x2B, v34;
	v34 =	vsel vm5, $0x2C, v36;
	v20 =	vld [tilespmem:s23+$0x1850]  }
0xa2: {  	s24 =	sadd.s32 s24, s18;
	v35 =	vsel vm6, $0x2D, v37;
	v36 =	vsel vm0, $0x2E, v40;
	v37 =	vsel vm7, $0x2F, v23;
	v22 =	vld [tilespmem:s23+$0x1860]  }
.Ltmp0:
0xa3: {  	v26 =	vsel vm2, v29, v49;
	v27 =	vsel vm3, v39, v50;
	v28 =	vsel vm4, v43, v21;
	v24 =	vld [tilespmem:s23+$0x1870];
	s23 =	sor.u32 $0x1C00, s24;
	(pc) =	sbr.rel @p2 .LBB2_4-.Ltmp0, $4  }
0xa4: {  	v38 =	vsel vm1, v45, v25;
	v39 =	vsel vm5, v47, v44;
	v40 =	vsel vm6, v48, v46;
	v21 =	vld [tilespmem:s23+$0x0];
	s23 =	sor.u32 $0x1C10, s24  }
0xa5: {  	v42 =	vsel vm0, v42, v51;
	v41 =	vsel vm7, v41, v52;
	vm0 =	vgt.f32 v15, v26;
	v23 =	vld [tilespmem:s23+$0x0];
	s23 =	sor.u32 $0x1C20, s24  }
0xa6: {  	vm2 =	vgt.f32 v16, v27;
	vm3 =	vgt.f32 v17, v28;
	vm1 =	vgt.f32 v18, v38;
	v25 =	vld [tilespmem:s23+$0x0];
	s23 =	sor.u32 $0x1C30, s24  }
0xa7: {  	s20 =	sadd.s32 $0x1, s20;
	vm5 =	vgt.f32 v19, v39;
	vm6 =	vgt.f32 v20, v40;
	vm4 =	vgt.f32 v22, v42;
	v29 =	vld [tilespmem:s23+$0x0];
	s23 =	sor.u32 $0x1C40, s24  }
0xa8: {  	v30 =	vsel vm0, $0x30, v30;
	v31 =	vsel vm2, $0x31, v31;
	vm7 =	vgt.f32 v24, v41  }
0xa9: {  	v32 =	vsel vm3, $0x32, v32;
	v33 =	vsel vm1, $0x33, v33;
	v34 =	vsel vm5, $0x34, v34  }
0xaa: {  	v35 =	vsel vm6, $0x35, v35;
	v36 =	vsel vm4, $0x36, v36;
	v15 =	vsel vm0, v15, v26  }
0xab: {  	v16 =	vsel vm2, v16, v27;
	v17 =	vsel vm3, v17, v28;
	v18 =	vsel vm1, v18, v38  }
0xac: {  	v43 =	vld [tilespmem:s23+$0x0];
	s18 =	sor.u32 $0x1C50, s24;
	v19 =	vsel vm5, v19, v39;
	v20 =	vsel vm6, v20, v40;
	v22 =	vsel vm4, v22, v42  }
0xad: {  	s30 =	sor.u32 $0x1C60, s24;
	v44 =	vld [tilespmem:s18+$0x0];
	v37 =	vsel vm7, $0x37, v37;
	v24 =	vsel vm7, v24, v41;
	vm0 =	vgt.f32 v21, v15  }
0xae: {  	s31 =	sor.u32 $0x1C70, s24;
	v45 =	vld [tilespmem:s30+$0x0];
	vm14 =	vgt.f32 v23, v16;
	v15 =	vsel vm0, v21, v15;
	v47 =	vsel vm0, $0x38, v30  }
0xaf: {  	v46 =	vld [tilespmem:s31+$0x0];
	vm15 =	vgt.f32 v25, v17;
	v16 =	vsel vm14, v23, v16;
	v48 =	vsel vm14, $0x39, v31  }
0xb0: {  	vm9 =	vgt.f32 v29, v18;
	v17 =	vsel vm15, v25, v17;
	v49 =	vsel vm15, $0x3A, v32  }
0xb1: {  	vm0 =	vgt.f32 v16, v15;
	vm14 =	veq.f32 v16, v15;
	vm15 =	vlt.u32 v48, v47  }
0xb2: {  	vm10 =	vgt.f32 v43, v19;
	v18 =	vsel vm9, v29, v18;
	v50 =	vsel vm9, $0x3B, v33  }
0xb3: {  	vm4 =	vmand vm14, vm15;
	vm11 =	vgt.f32 v44, v20;
	vm12 =	vgt.f32 v45, v22  }
0xb4: {  	vm13 =	vgt.f32 v46, v24;
	v19 =	vsel vm10, v43, v19;
	v51 =	vsel vm10, $0x3C, v34  }
0xb5: {  	vm1 =	vgt.f32 v18, v17;
	vm0 =	vmor vm0, vm4;
	v20 =	vsel vm11, v44, v20  }
0xb6: {  	v52 =	vsel vm11, $0x3D, v35;
	v22 =	vsel vm12, v45, v22;
	v53 =	vsel vm12, $0x3E, v36  }
0xb7: {  	v24 =	vsel vm13, v46, v24;
	v54 =	vsel vm13, $0x3F, v37;
	vm12 =	veq.f32 v18, v17  }
0xb8: {  	vm13 =	vlt.u32 v50, v49;
	v15 =	vsel vm0, v16, v15;
	v55 =	vsel vm0, v48, v47  }
0xb9: {  	vm2 =	vgt.f32 v20, v19;
	vm3 =	vgt.f32 v24, v22;
	vm8 =	veq.f32 v20, v19  }
0xba: {  	vm9 =	vlt.u32 v52, v51;
	vm14 =	veq.f32 v24, v22;
	vm10 =	vlt.u32 v54, v53  }
0xbb: {  	vm6 =	vmand vm12, vm13;
	vm15 =	vmand vm8, vm9;
	vm5 =	vmand vm14, vm10  }
0xbc: {  	vm1 =	vmor vm1, vm6;
	vm2 =	vmor vm2, vm15;
	vm5 =	vmor vm3, vm5  }
0xbd: {  	v17 =	vsel vm1, v18, v17;
	v56 =	vsel vm1, v50, v49;
	v19 =	vsel vm2, v20, v19  }
0xbe: {  	v57 =	vsel vm2, v52, v51;
	v58 =	vsel vm5, v24, v22;
	v59 =	vsel vm5, v54, v53  }
0xbf: {  	vm6 =	vgt.f32 v17, v15;
	vm7 =	veq.f32 v17, v15;
	vm8 =	vlt.u32 v56, v55  }
0xc0: {  	vm1 =	vmand vm7, vm8;
	vm9 =	veq.f32 v58, v19;
	vm10 =	vlt.u32 v59, v57  }
0xc1: {  	vm11 =	vgt.f32 v58, v19;
	vm0 =	vmor vm6, vm1;
	vm2 =	vmand vm9, vm10  }
0xc2: {  	v15 =	vsel vm0, v17, v15;
	vm1 =	vmor vm11, vm2  }
0xc3: {  	v16 =	vsel vm0, v56, v55;
	v60 =	vsel vm1, v58, v19;
	v61 =	vsel vm1, v59, v57  }
0xc4: {  	vm12 =	veq.f32 v60, v15;
	vm1 =	vlt.u32 v61, v16  }
0xc5: {  	vm13 =	vgt.f32 v60, v15;
	vm0 =	vmand vm12, vm1  }
0xc6: {  	vm0 =	vmor vm13, vm0  }
0xc7: {  	v15 =	vsel vm0, v60, v15  }
0xc8: {  	v17 =	vperm.xlane v15, v8;
	_ =	sdelay $0x1  }
0xc9: {  	v17 =	vmax.f32 v15, v17  }
0xca: {  	v62 =	vperm.xlane v17, v9;
	_ =	sdelay $0x1  }
0xcb: {  	v17 =	vmax.f32 v17, v62  }
0xcc: {  	v19 =	vperm.xlane v17, v10;
	_ =	sdelay $0x1  }
0xcd: {  	v17 =	vmax.f32 v17, v19  }
0xce: {  	v19 =	vperm.xlane v17, v11  }
0xcf: {  	v16 =	vsel vm0, v61, v16  }
0xd0: {  	v16 =	vshll.u32 v16, $0x4;
	v17 =	vmax.f32 v17, v19  }
0xd1: {  	v16 =	vor.u32 v12, v16;
	vm14 =	veq.f32 v15, v17  }
0xd2: {  	v15 =	vnsel vm14, $0x40000000, v16  }
0xd3: {  	v16 =	vperm.xlane v15, v8;
	_ =	sdelay $0x1  }
0xd4: {  	vm0 =	vlt.s32 v15, v16  }
0xd5: {  	v15 =	vsel vm0, v15, v16  }
0xd6: {  	v16 =	vperm.xlane v15, v9;
	_ =	sdelay $0x1  }
0xd7: {  	vm0 =	vlt.s32 v15, v16  }
0xd8: {  	v15 =	vsel vm0, v15, v16  }
0xd9: {  	v16 =	vperm.xlane v15, v10;
	_ =	sdelay $0x1  }
0xda: {  	vm0 =	vlt.s32 v15, v16  }
0xdb: {  	v15 =	vsel vm0, v15, v16  }
0xdc: {  	v16 =	vperm.xlane v15, v11  }
.Ltmp1:
0xdd: {  	_ = 	snop;
	(pc) =	sbr.rel @p1 .LBB2_3-.Ltmp1, $4  }
0xde: {  	v63 =	vmov s19;
	vm0 =	vlt.s32 v15, v16  }
0xdf: {  	s17 =	sshll.u32 s17, $0x4;
	vm15 =	veq.s32 v63, v12;
	v15 =	vsel vm0, v15, v16  }
0xe0: {  	s17 =	sand.u32 $0x3FFFFFF0, s17;
	v14 =	vsel vm15, v15, v14  }
0xe1: {  	p2 =	por $0x0, $0x0;
	[tilespmem:v13+s17+$0x0 ss:$0x1] =	vst.idx.msk $0xffff, v14;
	s17 =	simm.s32 $0x1  }
0xe2: {  	_ =	swait.ge [sflag:s11], $0x8000  }
0xe3: {  	[sflag:s11] =	ssyncset.done $0x0  }
0xe4: {  	s16 =	simm.s32 @p0 $0x0;
	s31 =	sadd.s32 $0x10000, s15;
	[sflag:s11] =	ssyncadd.s32 $0xFFFF8000  }
0xe5: {  	[tilespmem:s16], [sflag:$0x1] =	stream.linear.gather @p0 [hbm4b:s6+s16], $0x8000, $0x38;
	[tilespmem:$0x10080] =	vst v63  }
0xe6: {  	s15 =	simm.s32 $0x0;
	p2 =	por $0x1, $0x1;
	v13 =	vmov s31;
	s16 =	simm.s32 $0x0  }
.LBB2_7:
0xe7: {  	s17 =	sshll.u32 s16, $0xE  }
0xe8: {  	s19 =	sand.u32 $0x380, s15;
	s18 =	sand.u32 $0x6000, s17  }
0xe9: {  	s18 =	sor.u32 s19, s18  }
0xea: {  	v15 =	vld [tilespmem:s18+$0x8000]  }
0xeb: {  	v16 =	vld [tilespmem:s18+$0x8010]  }
0xec: {  	v17 =	vld [tilespmem:s18+$0x8020]  }
0xed: {  	v18 =	vld [tilespmem:s18+$0x8030]  }
0xee: {  	v19 =	vld [tilespmem:s18+$0x8040]  }
0xef: {  	v20 =	vld [tilespmem:s18+$0x8050]  }
0xf0: {  	v21 =	vld [tilespmem:s18+$0x8060]  }
0xf1: {  	v22 =	vld [tilespmem:s18+$0x8070]  }
0xf2: {  	v23 =	vld [tilespmem:s18+$0x8400]  }
0xf3: {  	v24 =	vld [tilespmem:s18+$0x8410]  }
0xf4: {  	v25 =	vld [tilespmem:s18+$0x8420]  }
0xf5: {  	v26 =	vld [tilespmem:s18+$0x8430]  }
0xf6: {  	v27 =	vld [tilespmem:s18+$0x8440]  }
0xf7: {  	v28 =	vld [tilespmem:s18+$0x8450]  }
0xf8: {  	v29 =	vld [tilespmem:s18+$0x8460]  }
0xf9: {  	v30 =	vld [tilespmem:s18+$0x8470]  }
0xfa: {  	v31 =	vld [tilespmem:s18+$0x8800]  }
0xfb: {  	v14 =	vimm.s32 $0x0;
	v32 =	vld [tilespmem:s18+$0x8810];
	vm0 =	vgt.f32 v23, v15  }
0xfc: {  	v33 =	vld [tilespmem:s18+$0x8820];
	vm1 =	vgt.f32 v24, v16;
	vm2 =	vgt.f32 v25, v17;
	vm3 =	vgt.f32 v26, v18  }
0xfd: {  	v34 =	vld [tilespmem:s18+$0x8830];
	vm4 =	vgt.f32 v27, v19;
	vm5 =	vgt.f32 v28, v20;
	vm6 =	vgt.f32 v29, v21  }
0xfe: {  	v37 =	vld [tilespmem:s18+$0x8840];
	vm7 =	vgt.f32 v30, v22;
	v35 =	vsel vm0, $0x8, v0;
	v36 =	vsel vm1, $0x9, v1  }
0xff: {  	v41 =	vld [tilespmem:s18+$0x8850];
	v38 =	vsel vm2, $0xA, v2;
	v39 =	vsel vm3, $0xB, v3;
	v40 =	vsel vm4, $0xC, v4  }
0x100: {  	v61 =	vld [tilespmem:s18+$0x8C40];
	v42 =	vsel vm5, $0xD, v5;
	v43 =	vsel vm6, $0xE, v6;
	v15 =	vsel vm0, v23, v15  }
0x101: {  	v49 =	vld [tilespmem:s18+$0x8C50];
	v44 =	vsel vm7, $0xF, v7;
	v16 =	vsel vm1, v24, v16;
	v17 =	vsel vm2, v25, v17  }
0x102: {  	v53 =	vld [tilespmem:s18+$0x9040];
	v18 =	vsel vm3, v26, v18;
	v19 =	vsel vm4, v27, v19;
	v20 =	vsel vm5, v28, v20  }
0x103: {  	v23 =	vld [tilespmem:s18+$0x8860];
	v21 =	vsel vm6, v29, v21;
	v22 =	vsel vm7, v30, v22;
	vm0 =	vgt.f32 v31, v15  }
0x104: {  	v24 =	vld [tilespmem:s18+$0x8870];
	vm1 =	vgt.f32 v32, v16;
	vm2 =	vgt.f32 v33, v17;
	vm3 =	vgt.f32 v34, v18  }
0x105: {  	v25 =	vld [tilespmem:s18+$0x8C00];
	vm4 =	vgt.f32 v37, v19;
	vm5 =	vgt.f32 v41, v20;
	v29 =	vsel vm0, $0x10, v35  }
0x106: {  	v26 =	vld [tilespmem:s18+$0x8C10];
	v30 =	vsel vm1, $0x11, v36;
	v62 =	vsel vm2, $0x12, v38;
	v63 =	vsel vm3, $0x13, v39  }
0x107: {  	v27 =	vld [tilespmem:s18+$0x8C20];
	v48 =	vsel vm4, $0x14, v40;
	v42 =	vsel vm5, $0x15, v42;
	v15 =	vsel vm0, v31, v15  }
0x108: {  	v28 =	vld [tilespmem:s18+$0x8C30];
	v16 =	vsel vm1, v32, v16;
	v19 =	vsel vm4, v37, v19;
	v20 =	vsel vm5, v41, v20  }
0x109: {  	v54 =	vld [tilespmem:s18+$0x9050];
	v17 =	vsel vm2, v33, v17;
	vm4 =	vgt.f32 v61, v19;
	vm5 =	vgt.f32 v49, v20  }
0x10a: {  	v50 =	vld [tilespmem:s18+$0x8C70];
	v18 =	vsel vm3, v34, v18;
	v39 =	vsel vm4, $0x1C, v48;
	v42 =	vsel vm5, $0x1D, v42  }
0x10b: {  	v51 =	vld [tilespmem:s18+$0x9000];
	v19 =	vsel vm4, v61, v19;
	v20 =	vsel vm5, v49, v20;
	vm6 =	vgt.f32 v23, v21  }
0x10c: {  	v52 =	vld [tilespmem:s18+$0x9030];
	vm7 =	vgt.f32 v24, v22;
	vm0 =	vgt.f32 v25, v15;
	vm1 =	vgt.f32 v26, v16  }
0x10d: {  	v45 =	vld [tilespmem:s18+$0x9060];
	vm2 =	vgt.f32 v27, v17;
	vm3 =	vgt.f32 v28, v18;
	vm4 =	vgt.f32 v53, v19  }
0x10e: {  	v31 =	vld [tilespmem:s18+$0x8C60];
	vm5 =	vgt.f32 v54, v20;
	v43 =	vsel vm6, $0x16, v43;
	v44 =	vsel vm7, $0x17, v44  }
0x10f: {  	v47 =	vld [tilespmem:s18+$0x9450];
	v21 =	vsel vm6, v23, v21;
	v22 =	vsel vm7, v24, v22;
	v29 =	vsel vm0, $0x18, v29  }
0x110: {  	v55 =	vld [tilespmem:s18+$0x9430];
	v30 =	vsel vm1, $0x19, v30;
	v36 =	vsel vm2, $0x1A, v62;
	v38 =	vsel vm3, $0x1B, v63  }
0x111: {  	v46 =	vld [tilespmem:s18+$0x9440];
	v15 =	vsel vm0, v25, v15;
	v16 =	vsel vm1, v26, v16;
	v17 =	vsel vm2, v27, v17  }
0x112: {  	v48 =	vld [tilespmem:s18+$0x9470];
	v18 =	vsel vm3, v28, v18;
	v58 =	vsel vm4, $0x24, v39;
	v59 =	vsel vm5, $0x25, v42  }
0x113: {  	v23 =	vld [tilespmem:s18+$0x9010];
	v41 =	vsel vm5, v54, v20;
	vm6 =	vgt.f32 v31, v21;
	vm7 =	vgt.f32 v50, v22  }
0x114: {  	v24 =	vld [tilespmem:s18+$0x9020];
	vm0 =	vgt.f32 v51, v15;
	vm3 =	vgt.f32 v52, v18;
	vm5 =	vgt.f32 v47, v41  }
0x115: {  	v25 =	vld [tilespmem:s18+$0x9070];
	v43 =	vsel vm6, $0x1E, v43;
	v44 =	vsel vm7, $0x1F, v44;
	v21 =	vsel vm6, v31, v21  }
0x116: {  	v26 =	vld [tilespmem:s18+$0x9400];
	v22 =	vsel vm7, v50, v22;
	v29 =	vsel vm0, $0x20, v29;
	v57 =	vsel vm3, $0x23, v38  }
0x117: {  	v27 =	vld [tilespmem:s18+$0x9410];
	v63 =	vsel vm0, v51, v15;
	v49 =	vsel vm3, v52, v18;
	v50 =	vsel vm4, v53, v19  }
0x118: {  	v62 =	vld [tilespmem:s18+$0x9460];
	v35 =	vsel vm5, $0x2D, v59;
	v40 =	vsel vm5, v47, v41;
	vm6 =	vgt.f32 v45, v21  }
0x119: {  	v28 =	vld [tilespmem:s18+$0x9420];
	vm3 =	vgt.f32 v55, v49;
	vm4 =	vgt.f32 v46, v50;
	v60 =	vsel vm6, $0x26, v43  }
0x11a: {  	v20 =	vld [tilespmem:s18+$0x9850];
	v45 =	vsel vm6, v45, v21;
	v33 =	vsel vm3, $0x2B, v57;
	v34 =	vsel vm4, $0x2C, v58  }
0x11b: {  	v15 =	vld [tilespmem:s18+$0x9800];
	v38 =	vsel vm3, v55, v49;
	v39 =	vsel vm4, v46, v50;
	vm1 =	vgt.f32 v23, v16  }
0x11c: {  	v18 =	vld [tilespmem:s18+$0x9830];
	vm2 =	vgt.f32 v24, v17;
	vm7 =	vgt.f32 v25, v22;
	vm0 =	vgt.f32 v26, v63  }
0x11d: {  	v19 =	vld [tilespmem:s18+$0x9840];
	vm6 =	vgt.f32 v62, v45;
	v31 =	vsel vm1, $0x21, v30;
	v56 =	vsel vm2, $0x22, v36  }
0x11e: {  	s26 =	sand.u32 $0x7, s15;
	v61 =	vsel vm7, $0x27, v44;
	v23 =	vsel vm1, v23, v16;
	v24 =	vsel vm2, v24, v17;
	v16 =	vld [tilespmem:s18+$0x9810]  }
0x11f: {  	s19 =	sshll.u32 s26, $0x7;
	v25 =	vsel vm7, v25, v22;
	v17 =	vld [tilespmem:s18+$0x9820];
	v30 =	vsel vm0, $0x28, v29;
	v36 =	vsel vm6, $0x2E, v60  }
0x120: {  	s23 =	sadd.s32 s19, s17;
	v22 =	vld [tilespmem:s18+$0x9860];
	v26 =	vsel vm0, v26, v63;
	v42 =	vsel vm6, v62, v45;
	vm2 =	vgt.f32 v28, v24  }
0x121: {  	s28 =	sor.u32 $0x1C00, s23;
	vm6 =	vgt.f32 v20, v40;
	vm1 =	vgt.f32 v27, v23;
	v28 =	vsel vm2, v28, v24;
	v24 =	vld [tilespmem:s18+$0x9870]  }
0x122: {  	s31 =	sor.u32 $0x1C30, s23;
	v21 =	vld [tilespmem:s28+$0x8000];
	vm7 =	vgt.f32 v48, v25;
	vm0 =	vgt.f32 v15, v26;
	vm5 =	vgt.f32 v19, v39  }
0x123: {  	p1 =	por p2, p2;
	s29 =	sor.u32 $0x1C10, s23;
	v29 =	vld [tilespmem:s31+$0x8000];
	v31 =	vsel vm1, $0x29, v31;
	v32 =	vsel vm2, $0x2A, v56;
	v37 =	vsel vm7, $0x2F, v61  }
0x124: {  	s20 =	simm.s32 $0x0;
	s21 =	simm.s32 $0x0;
	s30 =	sor.u32 $0x1C20, s23;
	v27 =	vsel vm1, v27, v23;
	v41 =	vsel vm7, v48, v25;
	v23 =	vld [tilespmem:s29+$0x8000];
	vm1 =	vgt.f32 v18, v38  }
0x125: {  	s19 =	simm.s32 $0x1;
	s22 =	sor.u32 $0x1C40, s23;
	v25 =	vld [tilespmem:s30+$0x8000];
	s18 =	simm.s32 $0x0;
	vm2 =	vgt.f32 v16, v27;
	vm3 =	vgt.f32 v17, v28;
	vm4 =	vgt.f32 v22, v42  }
.LBB2_8:
0x126: {  	p2 =	sne.s32 s19, $0xF;
	v30 =	vsel vm0, $0x30, v30;
	v31 =	vsel vm2, $0x31, v31;
	vm7 =	vgt.f32 v24, v41;
	v43 =	vld [tilespmem:s22+$0x8000];
	s22 =	sor.u32 $0x1C50, s23  }
0x127: {  	v32 =	vsel vm3, $0x32, v32;
	v33 =	vsel vm1, $0x33, v33;
	v34 =	vsel vm5, $0x34, v34;
	v44 =	vld [tilespmem:s22+$0x8000];
	s22 =	sor.u32 $0x1C60, s23  }
0x128: {  	v35 =	vsel vm6, $0x35, v35;
	v36 =	vsel vm4, $0x36, v36;
	v37 =	vsel vm7, $0x37, v37;
	v45 =	vld [tilespmem:s22+$0x8000];
	s22 =	sor.u32 $0x1C70, s23  }
0x129: {  	v15 =	vsel vm0, v15, v26;
	v16 =	vsel vm2, v16, v27;
	v17 =	vsel vm3, v17, v28;
	v26 =	vld [tilespmem:s22+$0x8000]  }
0x12a: {  	v18 =	vsel vm1, v18, v38;
	v19 =	vsel vm5, v19, v39;
	v20 =	vsel vm6, v20, v40  }
0x12b: {  	v22 =	vsel vm4, v22, v42;
	v24 =	vsel vm7, v24, v41;
	vm0 =	vgt.f32 v21, v15  }
0x12c: {  	vm1 =	vgt.f32 v23, v16;
	vm2 =	vgt.f32 v25, v17;
	vm3 =	vgt.f32 v29, v18  }
0x12d: {  	vm4 =	vgt.f32 v43, v19;
	vm5 =	vgt.f32 v44, v20;
	vm6 =	vgt.f32 v45, v22  }
0x12e: {  	v15 =	vsel vm0, v21, v15;
	v21 =	vsel vm0, $0x38, v30;
	vm0 =	vgt.f32 v26, v24  }
0x12f: {  	v16 =	vsel vm1, v23, v16;
	v23 =	vsel vm1, $0x39, v31;
	v17 =	vsel vm2, v25, v17  }
0x130: {  	s20 =	sadd.s32 $0x80, s20;
	s17 =	sadd.s32 $0x400, s17;
	v25 =	vsel vm2, $0x3A, v32;
	v18 =	vsel vm3, v29, v18;
	v27 =	vsel vm3, $0x3B, v33  }
0x131: {  	s23 =	sand.u32 $0x380, s20;
	s22 =	sand.u32 $0x6000, s17;
	v19 =	vsel vm4, v43, v19;
	v28 =	vsel vm4, $0x3C, v34;
	v20 =	vsel vm5, v44, v20  }
0x132: {  	s22 =	sor.u32 s23, s22;
	v29 =	vsel vm5, $0x3D, v35;
	v22 =	vsel vm6, v45, v22;
	v30 =	vsel vm6, $0x3E, v36  }
0x133: {  	v24 =	vsel vm0, v26, v24;
	v26 =	vsel vm0, $0x3F, v37;
	vm0 =	vgt.f32 v16, v15;
	v31 =	vld [tilespmem:s22+$0x8000]  }
0x134: {  	vm1 =	vgt.f32 v18, v17;
	vm2 =	vgt.f32 v20, v19;
	vm3 =	vgt.f32 v24, v22;
	v32 =	vld [tilespmem:s22+$0x8010]  }
0x135: {  	vm4 =	veq.f32 v16, v15;
	vm5 =	vlt.u32 v23, v21;
	vm6 =	veq.f32 v18, v17;
	v33 =	vld [tilespmem:s22+$0x8020]  }
0x136: {  	vm7 =	vlt.u32 v27, v25;
	vm8 =	veq.f32 v20, v19;
	vm9 =	vlt.u32 v29, v28;
	v34 =	vld [tilespmem:s22+$0x8030]  }
0x137: {  	vm4 =	vmand vm4, vm5;
	vm5 =	veq.f32 v24, v22;
	vm10 =	vlt.u32 v26, v30;
	v35 =	vld [tilespmem:s22+$0x8040]  }
0x138: {  	vm6 =	vmand vm6, vm7;
	vm7 =	vmand vm8, vm9;
	vm5 =	vmand vm5, vm10;
	v36 =	vld [tilespmem:s22+$0x8050]  }
0x139: {  	vm0 =	vmor vm0, vm4;
	vm1 =	vmor vm1, vm6;
	vm2 =	vmor vm2, vm7;
	v37 =	vld [tilespmem:s22+$0x8060]  }
0x13a: {  	v15 =	vsel vm0, v16, v15;
	v16 =	vsel vm0, v23, v21;
	vm0 =	vmor vm3, vm5;
	v38 =	vld [tilespmem:s22+$0x8070]  }
0x13b: {  	v17 =	vsel vm1, v18, v17;
	v18 =	vsel vm1, v27, v25;
	v19 =	vsel vm2, v20, v19;
	v21 =	vld [tilespmem:s22+$0x8400]  }
0x13c: {  	v23 =	vsel vm2, v29, v28;
	v22 =	vsel vm0, v24, v22;
	v24 =	vsel vm0, v26, v30;
	v20 =	vld [tilespmem:s22+$0x8410]  }
0x13d: {  	vm1 =	veq.f32 v17, v15;
	vm2 =	vlt.u32 v18, v16;
	vm0 =	vgt.f32 v17, v15;
	v25 =	vld [tilespmem:s22+$0x8420]  }
0x13e: {  	vm1 =	vmand vm1, vm2;
	vm2 =	veq.f32 v22, v19;
	vm3 =	vlt.u32 v24, v23;
	v26 =	vld [tilespmem:s22+$0x8430]  }
0x13f: {  	vm0 =	vmor vm0, vm1;
	vm1 =	vgt.f32 v22, v19;
	vm2 =	vmand vm2, vm3;
	v27 =	vld [tilespmem:s22+$0x8440]  }
0x140: {  	v15 =	vsel vm0, v17, v15;
	vm1 =	vmor vm1, vm2;
	v28 =	vld [tilespmem:s22+$0x8450]  }
0x141: {  	v16 =	vsel vm0, v18, v16;
	v18 =	vsel vm1, v22, v19;
	v19 =	vsel vm1, v24, v23;
	v17 =	vld [tilespmem:s22+$0x8460]  }
0x142: {  	vm0 =	veq.f32 v18, v15;
	vm1 =	vlt.u32 v19, v16;
	v22 =	vld [tilespmem:s22+$0x8470]  }
0x143: {  	v23 =	vmov s18;
	s18 =	smov.u32 s19;
	vm2 =	vgt.f32 v18, v15;
	vm0 =	vmand vm0, vm1  }
0x144: {  	vm1 =	vmor vm2, vm0;
	vm0 =	veq.s32 v23, v12;
	vm8 =	vgt.f32 v21, v31  }
0x145: {  	v15 =	vsel vm1, v18, v15;
	vm6 =	vgt.f32 v20, v32;
	vm7 =	vgt.f32 v25, v33  }
0x146: {  	v18 =	vperm.xlane v15, v8;
	vm2 =	vgt.f32 v26, v34;
	vm3 =	vgt.f32 v27, v35  }
0x147: {  	vm9 =	vgt.f32 v28, v36;
	vm4 =	vgt.f32 v17, v37;
	vm5 =	vgt.f32 v22, v38;
	v23 =	vld [tilespmem:s22+$0x8800]  }
0x148: {  	v18 =	vmax.f32 v15, v18;
	v24 =	vsel vm8, $0x8, v0;
	v29 =	vsel vm6, $0x9, v1;
	v30 =	vld [tilespmem:s22+$0x8810]  }
0x149: {  	v42 =	vperm.xlane v18, v9;
	v39 =	vsel vm7, $0xA, v2;
	v40 =	vsel vm2, $0xB, v3;
	v41 =	vld [tilespmem:s22+$0x8820]  }
0x14a: {  	v43 =	vsel vm3, $0xC, v4;
	v44 =	vsel vm9, $0xD, v5;
	v45 =	vsel vm4, $0xE, v6;
	v46 =	vld [tilespmem:s22+$0x8830]  }
0x14b: {  	v21 =	vsel vm8, v21, v31;
	v18 =	vmax.f32 v18, v42;
	v31 =	vsel vm5, $0xF, v7;
	v47 =	vld [tilespmem:s22+$0x8840]  }
0x14c: {  	v20 =	vsel vm6, v20, v32;
	v25 =	vsel vm7, v25, v33;
	v33 =	vperm.xlane v18, v10;
	v32 =	vld [tilespmem:s22+$0x8850]  }
0x14d: {  	v26 =	vsel vm2, v26, v34;
	v27 =	vsel vm3, v27, v35;
	v28 =	vsel vm9, v28, v36;
	v34 =	vld [tilespmem:s22+$0x8860]  }
0x14e: {  	v18 =	vmax.f32 v18, v33;
	v17 =	vsel vm4, v17, v37;
	v22 =	vsel vm5, v22, v38;
	v35 =	vld [tilespmem:s22+$0x8870]  }
0x14f: {  	v33 =	vperm.xlane v18, v11;
	vm5 =	vgt.f32 v23, v21;
	vm3 =	vgt.f32 v30, v20  }
0x150: {  	v16 =	vsel vm1, v19, v16;
	vm4 =	vgt.f32 v41, v25;
	vm2 =	vgt.f32 v46, v26  }
0x151: {  	v16 =	vshll.u32 v16, $0x4;
	v18 =	vmax.f32 v18, v33;
	vm1 =	vgt.f32 v47, v27  }
0x152: {  	v16 =	vor.u32 v12, v16;
	vm9 =	veq.f32 v15, v18;
	vm6 =	vgt.f32 v32, v28;
	v19 =	vld [tilespmem:s22+$0x8C00]  }
0x153: {  	v16 =	vnsel vm9, $0x40000000, v16;
	vm7 =	vgt.f32 v34, v17;
	vm8 =	vgt.f32 v35, v22;
	v15 =	vld [tilespmem:s22+$0x8C10]  }
0x154: {  	v33 =	vperm.xlane v16, v8;
	v18 =	vsel vm5, $0x10, v24;
	v24 =	vsel vm3, $0x11, v29;
	v29 =	vld [tilespmem:s22+$0x8C20]  }
0x155: {  	v36 =	vsel vm4, $0x12, v39;
	v37 =	vsel vm2, $0x13, v40;
	v38 =	vsel vm1, $0x14, v43;
	v39 =	vld [tilespmem:s22+$0x8C30]  }
0x156: {  	vm9 =	vlt.s32 v16, v33;
	v40 =	vsel vm6, $0x15, v44;
	v42 =	vsel vm7, $0x16, v45;
	v43 =	vld [tilespmem:s22+$0x8C40]  }
0x157: {  	v21 =	vsel vm5, v23, v21;
	v16 =	vsel vm9, v16, v33;
	v23 =	vsel vm8, $0x17, v31;
	v31 =	vld [tilespmem:s22+$0x8C50]  }
0x158: {  	v20 =	vsel vm3, v30, v20;
	v25 =	vsel vm4, v41, v25;
	v33 =	vperm.xlane v16, v9;
	v30 =	vld [tilespmem:s22+$0x8C60]  }
0x159: {  	v26 =	vsel vm2, v46, v26;
	v27 =	vsel vm1, v47, v27;
	v28 =	vsel vm6, v32, v28;
	v32 =	vld [tilespmem:s22+$0x8C70]  }
0x15a: {  	vm1 =	vlt.s32 v16, v33;
	v17 =	vsel vm7, v34, v17;
	v22 =	vsel vm8, v35, v22  }
0x15b: {  	v16 =	vsel vm1, v16, v33;
	vm7 =	vgt.f32 v19, v21;
	vm8 =	vgt.f32 v15, v20  }
0x15c: {  	v34 =	vperm.xlane v16, v10;
	vm2 =	vgt.f32 v29, v25;
	vm3 =	vgt.f32 v39, v26;
	v33 =	vld [tilespmem:s22+$0x9000]  }
0x15d: {  	vm4 =	vgt.f32 v43, v27;
	vm5 =	vgt.f32 v31, v28;
	vm1 =	vgt.f32 v30, v17;
	v35 =	vld [tilespmem:s22+$0x9010]  }
0x15e: {  	vm9 =	vlt.s32 v16, v34;
	v18 =	vsel vm7, $0x18, v18;
	vm6 =	vgt.f32 v32, v22;
	v41 =	vld [tilespmem:s22+$0x9020]  }
0x15f: {  	v16 =	vsel vm9, v16, v34;
	v24 =	vsel vm8, $0x19, v24;
	v36 =	vsel vm2, $0x1A, v36;
	v44 =	vld [tilespmem:s22+$0x9030]  }
0x160: {  	v45 =	vperm.xlane v16, v11;
	v34 =	vsel vm3, $0x1B, v37;
	v37 =	vsel vm4, $0x1C, v38;
	v38 =	vld [tilespmem:s22+$0x9040]  }
0x161: {  	v40 =	vsel vm5, $0x1D, v40;
	v42 =	vsel vm1, $0x1E, v42;
	v23 =	vsel vm6, $0x1F, v23;
	v46 =	vld [tilespmem:s22+$0x9050]  }
0x162: {  	v19 =	vsel vm7, v19, v21;
	v15 =	vsel vm8, v15, v20;
	vm7 =	vlt.s32 v16, v45;
	v20 =	vld [tilespmem:s22+$0x9060]  }
0x163: {  	v21 =	vsel vm2, v29, v25;
	v16 =	vsel vm7, v16, v45;
	v25 =	vsel vm3, v39, v26;
	v26 =	vld [tilespmem:s22+$0x9070]  }
0x164: {  	v14 =	vsel vm0, v16, v14;
	v27 =	vsel vm4, v43, v27;
	v28 =	vsel vm5, v31, v28;
	v29 =	vld [tilespmem:s22+$0x9400]  }
0x165: {  	v16 =	vsel vm1, v30, v17;
	v17 =	vsel vm6, v32, v22;
	vm0 =	vgt.f32 v33, v19;
	v39 =	vld [tilespmem:s22+$0x9410]  }
0x166: {  	vm1 =	vgt.f32 v35, v15;
	vm2 =	vgt.f32 v41, v21;
	vm3 =	vgt.f32 v44, v25;
	v43 =	vld [tilespmem:s22+$0x9420]  }
0x167: {  	vm4 =	vgt.f32 v38, v27;
	vm5 =	vgt.f32 v46, v28;
	vm6 =	vgt.f32 v20, v16;
	v45 =	vld [tilespmem:s22+$0x9430]  }
0x168: {  	v22 =	vsel vm0, $0x20, v18;
	v24 =	vsel vm1, $0x21, v24;
	vm7 =	vgt.f32 v26, v17;
	v47 =	vld [tilespmem:s22+$0x9440]  }
0x169: {  	v32 =	vsel vm2, $0x22, v36;
	v34 =	vsel vm3, $0x23, v34;
	v36 =	vsel vm4, $0x24, v37;
	v48 =	vld [tilespmem:s22+$0x9450]  }
0x16a: {  	v37 =	vsel vm5, $0x25, v40;
	v40 =	vsel vm6, $0x26, v42;
	v23 =	vsel vm7, $0x27, v23;
	v42 =	vld [tilespmem:s22+$0x9460]  }
0x16b: {  	v49 =	vsel vm0, v33, v19;
	v50 =	vsel vm1, v35, v15;
	v21 =	vsel vm2, v41, v21;
	v41 =	vld [tilespmem:s22+$0x9470]  }
0x16c: {  	v25 =	vsel vm3, v44, v25;
	v44 =	vsel vm4, v38, v27;
	v46 =	vsel vm5, v46, v28;
	v15 =	vld [tilespmem:s22+$0x9800]  }
0x16d: {  	v51 =	vsel vm6, v20, v16;
	v52 =	vsel vm7, v26, v17;
	vm2 =	vgt.f32 v29, v49;
	v16 =	vld [tilespmem:s22+$0x9810]  }
0x16e: {  	vm3 =	vgt.f32 v39, v50;
	vm4 =	vgt.f32 v43, v21;
	vm1 =	vgt.f32 v45, v25;
	v17 =	vld [tilespmem:s22+$0x9820]  }
0x16f: {  	s21 =	sadd.s32 $0x1, s21;
	vm5 =	vgt.f32 v47, v44;
	vm6 =	vgt.f32 v48, v46;
	vm0 =	vgt.f32 v42, v51;
	v18 =	vld [tilespmem:s22+$0x9830]  }
0x170: {  	s23 =	sand.u32 $0x7, s21;
	v30 =	vsel vm2, $0x28, v22;
	v31 =	vsel vm3, $0x29, v24;
	vm7 =	vgt.f32 v41, v52;
	v19 =	vld [tilespmem:s22+$0x9840]  }
0x171: {  	s23 =	sshll.u32 s23, $0x7;
	v32 =	vsel vm4, $0x2A, v32;
	v33 =	vsel vm1, $0x2B, v34;
	v34 =	vsel vm5, $0x2C, v36;
	v20 =	vld [tilespmem:s22+$0x9850]  }
0x172: {  	s23 =	sadd.s32 s23, s17;
	v35 =	vsel vm6, $0x2D, v37;
	v36 =	vsel vm0, $0x2E, v40;
	v37 =	vsel vm7, $0x2F, v23;
	v22 =	vld [tilespmem:s22+$0x9860]  }
.Ltmp2:
0x173: {  	v26 =	vsel vm2, v29, v49;
	v27 =	vsel vm3, v39, v50;
	v28 =	vsel vm4, v43, v21;
	v24 =	vld [tilespmem:s22+$0x9870];
	s22 =	sor.u32 $0x1C00, s23;
	(pc) =	sbr.rel @p2 .LBB2_8-.Ltmp2, $4  }
0x174: {  	v38 =	vsel vm1, v45, v25;
	v39 =	vsel vm5, v47, v44;
	v40 =	vsel vm6, v48, v46;
	v21 =	vld [tilespmem:s22+$0x8000];
	s22 =	sor.u32 $0x1C10, s23  }
0x175: {  	v42 =	vsel vm0, v42, v51;
	v41 =	vsel vm7, v41, v52;
	vm0 =	vgt.f32 v15, v26;
	v23 =	vld [tilespmem:s22+$0x8000];
	s22 =	sor.u32 $0x1C20, s23  }
0x176: {  	vm2 =	vgt.f32 v16, v27;
	vm3 =	vgt.f32 v17, v28;
	vm1 =	vgt.f32 v18, v38;
	v25 =	vld [tilespmem:s22+$0x8000];
	s22 =	sor.u32 $0x1C30, s23  }
0x177: {  	s19 =	sadd.s32 $0x1, s19;
	vm5 =	vgt.f32 v19, v39;
	vm6 =	vgt.f32 v20, v40;
	vm4 =	vgt.f32 v22, v42;
	v29 =	vld [tilespmem:s22+$0x8000];
	s22 =	sor.u32 $0x1C40, s23  }
0x178: {  	v30 =	vsel vm0, $0x30, v30;
	v31 =	vsel vm2, $0x31, v31;
	vm7 =	vgt.f32 v24, v41  }
0x179: {  	v32 =	vsel vm3, $0x32, v32;
	v33 =	vsel vm1, $0x33, v33;
	v34 =	vsel vm5, $0x34, v34  }
0x17a: {  	v35 =	vsel vm6, $0x35, v35;
	v36 =	vsel vm4, $0x36, v36;
	v15 =	vsel vm0, v15, v26  }
0x17b: {  	v16 =	vsel vm2, v16, v27;
	v17 =	vsel vm3, v17, v28;
	v18 =	vsel vm1, v18, v38  }
0x17c: {  	v43 =	vld [tilespmem:s22+$0x8000];
	s17 =	sor.u32 $0x1C50, s23;
	v19 =	vsel vm5, v19, v39;
	v20 =	vsel vm6, v20, v40;
	v22 =	vsel vm4, v22, v42  }
0x17d: {  	s30 =	sor.u32 $0x1C60, s23;
	v44 =	vld [tilespmem:s17+$0x8000];
	v37 =	vsel vm7, $0x37, v37;
	v24 =	vsel vm7, v24, v41;
	vm0 =	vgt.f32 v21, v15  }
0x17e: {  	s31 =	sor.u32 $0x1C70, s23;
	v45 =	vld [tilespmem:s30+$0x8000];
	vm14 =	vgt.f32 v23, v16;
	v15 =	vsel vm0, v21, v15;
	v47 =	vsel vm0, $0x38, v30  }
0x17f: {  	v46 =	vld [tilespmem:s31+$0x8000];
	vm15 =	vgt.f32 v25, v17;
	v16 =	vsel vm14, v23, v16;
	v48 =	vsel vm14, $0x39, v31  }
0x180: {  	vm9 =	vgt.f32 v29, v18;
	v17 =	vsel vm15, v25, v17;
	v49 =	vsel vm15, $0x3A, v32  }
0x181: {  	vm0 =	vgt.f32 v16, v15;
	vm14 =	veq.f32 v16, v15;
	vm15 =	vlt.u32 v48, v47  }
0x182: {  	vm10 =	vgt.f32 v43, v19;
	v18 =	vsel vm9, v29, v18;
	v50 =	vsel vm9, $0x3B, v33  }
0x183: {  	vm4 =	vmand vm14, vm15;
	vm11 =	vgt.f32 v44, v20;
	vm12 =	vgt.f32 v45, v22  }
0x184: {  	vm13 =	vgt.f32 v46, v24;
	v19 =	vsel vm10, v43, v19;
	v51 =	vsel vm10, $0x3C, v34  }
0x185: {  	vm1 =	vgt.f32 v18, v17;
	vm0 =	vmor vm0, vm4;
	v20 =	vsel vm11, v44, v20  }
0x186: {  	v52 =	vsel vm11, $0x3D, v35;
	v22 =	vsel vm12, v45, v22;
	v53 =	vsel vm12, $0x3E, v36  }
0x187: {  	v24 =	vsel vm13, v46, v24;
	v54 =	vsel vm13, $0x3F, v37;
	vm12 =	veq.f32 v18, v17  }
0x188: {  	vm13 =	vlt.u32 v50, v49;
	v15 =	vsel vm0, v16, v15;
	v55 =	vsel vm0, v48, v47  }
0x189: {  	vm2 =	vgt.f32 v20, v19;
	vm3 =	vgt.f32 v24, v22;
	vm8 =	veq.f32 v20, v19  }
0x18a: {  	vm9 =	vlt.u32 v52, v51;
	vm14 =	veq.f32 v24, v22;
	vm10 =	vlt.u32 v54, v53  }
0x18b: {  	vm6 =	vmand vm12, vm13;
	vm15 =	vmand vm8, vm9;
	vm5 =	vmand vm14, vm10  }
0x18c: {  	vm1 =	vmor vm1, vm6;
	vm2 =	vmor vm2, vm15;
	vm5 =	vmor vm3, vm5  }
0x18d: {  	v17 =	vsel vm1, v18, v17;
	v56 =	vsel vm1, v50, v49;
	v19 =	vsel vm2, v20, v19  }
0x18e: {  	v57 =	vsel vm2, v52, v51;
	v58 =	vsel vm5, v24, v22;
	v59 =	vsel vm5, v54, v53  }
0x18f: {  	vm6 =	vgt.f32 v17, v15;
	vm7 =	veq.f32 v17, v15;
	vm8 =	vlt.u32 v56, v55  }
0x190: {  	vm1 =	vmand vm7, vm8;
	vm9 =	veq.f32 v58, v19;
	vm10 =	vlt.u32 v59, v57  }
0x191: {  	vm11 =	vgt.f32 v58, v19;
	vm0 =	vmor vm6, vm1;
	vm2 =	vmand vm9, vm10  }
0x192: {  	v15 =	vsel vm0, v17, v15;
	vm1 =	vmor vm11, vm2  }
0x193: {  	v16 =	vsel vm0, v56, v55;
	v60 =	vsel vm1, v58, v19;
	v61 =	vsel vm1, v59, v57  }
0x194: {  	vm12 =	veq.f32 v60, v15;
	vm1 =	vlt.u32 v61, v16  }
0x195: {  	vm13 =	vgt.f32 v60, v15;
	vm0 =	vmand vm12, vm1  }
0x196: {  	vm0 =	vmor vm13, vm0  }
0x197: {  	v15 =	vsel vm0, v60, v15  }
0x198: {  	v17 =	vperm.xlane v15, v8;
	_ =	sdelay $0x1  }
0x199: {  	v17 =	vmax.f32 v15, v17  }
0x19a: {  	v62 =	vperm.xlane v17, v9;
	_ =	sdelay $0x1  }
0x19b: {  	v17 =	vmax.f32 v17, v62  }
0x19c: {  	v19 =	vperm.xlane v17, v10;
	_ =	sdelay $0x1  }
0x19d: {  	v17 =	vmax.f32 v17, v19  }
0x19e: {  	v19 =	vperm.xlane v17, v11  }
0x19f: {  	v16 =	vsel vm0, v61, v16  }
0x1a0: {  	v16 =	vshll.u32 v16, $0x4;
	v17 =	vmax.f32 v17, v19  }
0x1a1: {  	v16 =	vor.u32 v12, v16;
	vm14 =	veq.f32 v15, v17  }
0x1a2: {  	v15 =	vnsel vm14, $0x40000000, v16  }
0x1a3: {  	v16 =	vperm.xlane v15, v8;
	_ =	sdelay $0x1  }
0x1a4: {  	vm0 =	vlt.s32 v15, v16  }
0x1a5: {  	v15 =	vsel vm0, v15, v16  }
0x1a6: {  	v16 =	vperm.xlane v15, v9;
	_ =	sdelay $0x1  }
0x1a7: {  	vm0 =	vlt.s32 v15, v16  }
0x1a8: {  	v15 =	vsel vm0, v15, v16  }
0x1a9: {  	v16 =	vperm.xlane v15, v10;
	_ =	sdelay $0x1  }
0x1aa: {  	vm0 =	vlt.s32 v15, v16  }
0x1ab: {  	v15 =	vsel vm0, v15, v16  }
0x1ac: {  	v16 =	vperm.xlane v15, v11  }
.Ltmp3:
0x1ad: {  	_ = 	snop;
	(pc) =	sbr.rel @p1 .LBB2_7-.Ltmp3, $4  }
0x1ae: {  	v63 =	vmov s18;
	vm0 =	vlt.s32 v15, v16  }
0x1af: {  	s16 =	sshll.u32 s16, $0x4;
	vm15 =	veq.s32 v63, v12;
	v15 =	vsel vm0, v15, v16  }
0x1b0: {  	s16 =	sand.u32 $0x3FFFFFF0, s16;
	v14 =	vsel vm15, v15, v14  }
0x1b1: {  	p2 =	por $0x0, $0x0;
	[tilespmem:v13+s16+$0x0 ss:$0x1] =	vst.idx.msk $0xffff, v14;
	s16 =	simm.s32 $0x1  }
.Ltmp4:
0x1b2: {  	(pc) =	sbr.rel @p0 .LBB2_2-.Ltmp4, $2  }
0x1b3: {  	_ =	sdelay $0x2  }
0x1b4: {  	s15 =	simm.s32 $0x1;
	p1 =	por $0x0, $0x0  }
0x1b5: {  	s14 =	sadd.s32 $0x1, s14  }
0x1b6: {  	p0 =	sne.s32 s14, s8  }
.Ltmp5:
0x1b7: {  	_ = 	snop;
	(pc) =	sbr.rel @p0 .LBB2_1-.Ltmp5, $4  }
0x1b8: {  	[hbm4b:s7+s3] =	stream.linear.scatter [tilespmem:s12], [sflag:$0x3], $0x80, $0x38;
	[tilespmem:$0x10080] =	vst v63  }
0x1b9: {  	_ =	swait.ge [sflag:s13], $0x80  }
0x1ba: {  	[sflag:s13] =	ssyncset.done $0x0  }
0x1bb: {  	[sflag:s13] =	ssyncadd.s32 $0xFFFFFF80  }
0x1bc: {  	_ =	sfence.sel $0x180000  }
0x1bd: {  	[bflag:$0x0] =	sbarrier.arrive $0xFFFF  }
0x1be: {  	p0 =	sne.s32 s2, $0x0;
	_ =	strace $0x90000047  }
0x1bf: {  	s0 =	sadd.s32 @!p0 $0x100000, s1;
	[bflag:$0x2] =	sbarrier.arrive $0xFFFF  }
0x1c0: {  	[sflag:s0] =	ssyncadd.tile.s32 @!p0 $0x1;
	_ =	shalt  }
.Lfunc_end2:
_tile_overlayer_lowered:
.L_overlay_start_2:
0x1c1: {  	(tag) =	ssettag $0x2  }
0x1c2: {  	s0 =	rddreg [dreg:$0x0];
	s2 =	stileid.u32  }
0x1c3: {  	s1 =	rddreg [dreg:$0x1];
	p0 =	sne.s32 s2, $0x0  }
0x1c4: {  	s3 =	rddreg [dreg:$0x2];
	[bflag:$0x3] =	sbarrier.arrive $0xFFFF;
	s2 =	simm.s32 @!p0 $0x1C03  }
0x1c5: {  	[timem:s3], [sflag:s2] =	dma.local @!p0 [hbm:s0], s1  }
0x1c6: {  	s0 =	simm.s32 @!p0 $0x3  }
0x1c7: {  	_ =	swait.ge @!p0 [sflag:s0], s1  }
0x1c8: {  	s1 =	ssub.s32 @!p0 $0x0, s1;
	[sflag:s0] =	ssyncset.done @!p0 $0x0  }
0x1c9: {  	[sflag:s0] =	ssyncadd.s32 @!p0 s1  }
0x1ca: {  	[bflag:$0x3] =	sbarrier.arrive $0xFFFF  }
0x1cb: {  	_ =	shalt  }

</sc_bundles>
